<compile_context>
chip_gen: v7x
topology: tpu7x:2x2x1
jax: 0.10.2.dev20260603
libtpu: 0.0.44.dev20260713+nightly
codegen_flags: <defaults>
</compile_context>

<pallas_src>
import functools

import jax
import jax.numpy as jnp
import numpy as np
from jax import lax
from jax.experimental import pallas as pl
from jax.experimental.pallas import tpu as pltpu
from jax.experimental.pallas import tpu_sc as plsc

F32 = jnp.float32

_hdot = functools.partial(jnp.dot, precision=lax.Precision.HIGHEST,
                          preferred_element_type=F32)
_fdot = functools.partial(jnp.dot, precision=lax.Precision.DEFAULT,
                          preferred_element_type=F32)


BF16 = jnp.bfloat16


def _split2(v):
    hi = v.astype(BF16)
    lo = (v - hi.astype(F32)).astype(BF16)
    return hi, lo


def _bdot(a, b):
    return jnp.dot(a, b, preferred_element_type=F32)


def _dot3(a1, a2, bhi, blo):
    return (_bdot(a1, bhi) + _bdot(a1, blo)) + _bdot(a2, bhi)


def _route_body(x_ref, lmat_ref, pmat_ref, w1hi_ref, w1lo_ref, b1_ref,
                w2hi_ref, w2lo_ref, b2_ref,
                xg_ref, top2_ref, m_ref, idx2_ref):
    xb = x_ref[0]
    x1, x2 = _split2(xb)
    lm = lmat_ref[...]
    z = _bdot(lm, x1) + _bdot(lm, x2)
    z1, z2 = _split2(z)
    pm = pmat_ref[...]
    pooled = (_bdot(z1, pm) + _bdot(z2, pm)) * (1.0 / 196.0)

    p1, p2 = _split2(pooled)
    accs = [None] * 4
    for a in range(48):
        d = _dot3(p1[a:a + 1, :], p2[a:a + 1, :], w1hi_ref[a], w1lo_ref[a])
        g = a % 4
        accs[g] = d if accs[g] is None else accs[g] + d
    acc = b1_ref[...] + ((accs[0] + accs[1]) + (accs[2] + accs[3]))
    f = jax.nn.relu(acc)
    f1, f2 = _split2(f)
    lg = _dot3(f1, f2, w2hi_ref[...], w2lo_ref[...]) + b2_ref[...]

    io64 = lax.broadcasted_iota(jnp.int32, (1, 64), 1)
    m1 = jnp.max(lg, axis=1, keepdims=True)
    i1 = jnp.min(jnp.where(lg == m1, io64, 64), axis=1, keepdims=True)
    lg2 = jnp.where(io64 == i1, F32(-1e30), lg)
    m2 = jnp.max(lg2, axis=1, keepdims=True)
    i2 = jnp.min(jnp.where(lg2 == m2, io64, 64), axis=1, keepdims=True)
    io128 = lax.broadcasted_iota(jnp.int32, (1, 128), 1)
    top2_ref[0] = jnp.where(io128 == 0,
                            jnp.broadcast_to(i1, (1, 128)),
                            jnp.broadcast_to(i2, (1, 128)))

    iob = lax.broadcasted_iota(jnp.int32, (1, 512), 1)
    e_selb = jnp.where(iob < 256,
                       jnp.broadcast_to(i1, (1, 512)),
                       jnp.broadcast_to(i2, (1, 512)))
    idx2_ref[0] = e_selb * 256 + (iob & 255)

    parts = [f]
    for k in range(4):
        q = f[:, k * 128:(k + 1) * 128]
        parts.append(jnp.pad(q, ((0, 0), (0, 384))))
    xg = jnp.concatenate(parts, axis=0)
    xg_ref[0] = xg

    diff = xg[:, None, :] - xg[None, :, :]
    d2 = jnp.sum(diff * diff, axis=-1)
    io5c = lax.broadcasted_iota(jnp.int32, (5, 5), 1)
    io5r = lax.broadcasted_iota(jnp.int32, (5, 5), 0)
    mx = jnp.max(d2, axis=1, keepdims=True)
    excl = jnp.max(jnp.where(d2 == mx, io5c, -1), axis=1, keepdims=True)
    m_ref[0] = ((io5c != excl).astype(F32) + (io5c == io5r).astype(F32))


def _route(x3, lmat, pmat, w1, b1, w2, b2):
    bn = x3.shape[0]
    w1b = w1.reshape(48, 16, 512)
    w1hi = w1b.astype(BF16)
    w1lo = (w1b - w1hi.astype(F32)).astype(BF16)
    w2hi = w2.astype(BF16)
    w2lo = (w2 - w2hi.astype(F32)).astype(BF16)
    return pl.pallas_call(
        _route_body,
        grid=(bn,),
        in_specs=[
            pl.BlockSpec((1, 672, 224), lambda b: (b, 0, 0)),
            pl.BlockSpec((48, 672), lambda b: (0, 0)),
            pl.BlockSpec((224, 16), lambda b: (0, 0)),
            pl.BlockSpec((48, 16, 512), lambda b: (0, 0, 0)),
            pl.BlockSpec((48, 16, 512), lambda b: (0, 0, 0)),
            pl.BlockSpec((1, 512), lambda b: (0, 0)),
            pl.BlockSpec((512, 64), lambda b: (0, 0)),
            pl.BlockSpec((512, 64), lambda b: (0, 0)),
            pl.BlockSpec((1, 64), lambda b: (0, 0)),
        ],
        out_specs=[
            pl.BlockSpec((1, 5, 512), lambda b: (b, 0, 0)),
            pl.BlockSpec((1, 1, 128), lambda b: (b, 0, 0)),
            pl.BlockSpec((1, 5, 5), lambda b: (b, 0, 0)),
            pl.BlockSpec((1, 1, 512), lambda b: (b, 0, 0)),
        ],
        out_shape=[
            jax.ShapeDtypeStruct((bn, 5, 512), F32),
            jax.ShapeDtypeStruct((bn, 1, 128), jnp.int32),
            jax.ShapeDtypeStruct((bn, 5, 5), F32),
            jax.ShapeDtypeStruct((bn, 1, 512), jnp.int32),
        ],
    )(x3, lmat.astype(BF16), pmat.astype(BF16), w1hi, w1lo,
      b1.reshape(1, 512), w2hi, w2lo, b2.reshape(1, 64))


def _sc_gather(idx2_flat, w2_view):
    mesh = plsc.VectorSubcoreMesh(core_axis_name="c", subcore_axis_name="s")

    @functools.partial(
        pl.kernel,
        out_type=jax.ShapeDtypeStruct((4096, 128), F32),
        mesh=mesh,
        scratch_types=(
            pltpu.VMEM((128,), jnp.int32),
            pltpu.VMEM((128, 128), F32),
            pltpu.SemaphoreType.DMA,
            pltpu.SemaphoreType.DMA,
        ),
    )
    def gather_k(idx2_hbm, w2_hbm, o_w2, ic_v, rows2_v, sem, semo):
        wid = lax.axis_index("s") * 2 + lax.axis_index("c")
        pltpu.sync_copy(idx2_hbm.at[pl.ds(wid * 128, 128)], ic_v)
        c3 = pltpu.async_copy(w2_hbm.at[ic_v], rows2_v, sem)
        c3.wait()
        o3 = pltpu.async_copy(rows2_v, o_w2.at[pl.ds(wid * 128, 128)], semo)
        o3.wait()

    return gather_k(idx2_flat, w2_view)


def _experts_body(e_ref, xg_ref, m_ref, w1a_ref, w1b_ref, w2_ref,
                  b1a_ref, b1b_ref, b2a_ref, b2b_ref,
                  fw_ref, fb_ref, o_ref, acc_ref):
    t = pl.program_id(0)
    xg = xg_ref[0]
    mm = m_ref[0]
    for j, w1_ref, b1_ref, b2_ref in ((0, w1a_ref, b1a_ref, b2a_ref),
                                      (1, w1b_ref, b1b_ref, b2b_ref)):
        p = 2 * t + j
        xw = _fdot(xg, w1_ref[0])
        h = jax.nn.relu(_fdot(mm, xw) * 0.2 + b1_ref[0])
        h2 = _fdot(mm, _fdot(h, w2_ref[j])) * 0.2 + b2_ref[0]
        acc_ref[pl.ds(p, 1), :] = jnp.mean(h2, axis=0, keepdims=True)

    @pl.when(t == 7)
    def _():
        comb = acc_ref[...]
        fin = _fdot(comb, fw_ref[...])
        io5c = lax.broadcasted_iota(jnp.int32, (5, 5), 1)
        io5r = lax.broadcasted_iota(jnp.int32, (5, 5), 0)
        c7 = mm - (io5c == io5r).astype(F32)
        c7p = jnp.pad(c7, ((0, 11), (0, 11)))
        r16 = lax.broadcasted_iota(jnp.int32, (16, 16), 0)
        c16 = lax.broadcasted_iota(jnp.int32, (16, 16), 1)
        diag = jnp.where(r16 == c16,
                         jnp.where(r16 < 5, F32(0.2), F32(1.0)), F32(0.0))
        mf = diag + c7p * 0.2
        fin2 = _fdot(mf, fin) + fb_ref[...]
        r8 = lax.broadcasted_iota(jnp.int32, (8, 16), 0)
        c8 = lax.broadcasted_iota(jnp.int32, (8, 16), 1)
        pairmean = ((c8 == 2 * r8) | (c8 == 2 * r8 + 1)).astype(F32)
        o_ref[...] = _fdot(pairmean, fin2) * 0.5


def _experts(top2m, xg, m, w1_full, w2g, b1t, b2t, fw, fb):
    grid_spec = pltpu.PrefetchScalarGridSpec(
        num_scalar_prefetch=1,
        grid=(8,),
        in_specs=[
            pl.BlockSpec((1, 5, 512), lambda t, e: (t, 0, 0)),
            pl.BlockSpec((1, 5, 5), lambda t, e: (t, 0, 0)),
            pl.BlockSpec((1, 512, 256), lambda t, e: (e[t, 0], 0, 0)),
            pl.BlockSpec((1, 512, 256), lambda t, e: (e[t, 1], 0, 0)),
            pl.BlockSpec((2, 256, 128), lambda t, e: (t, 0, 0)),
            pl.BlockSpec((1, 1, 256), lambda t, e: (e[t, 0], 0, 0)),
            pl.BlockSpec((1, 1, 256), lambda t, e: (e[t, 1], 0, 0)),
            pl.BlockSpec((1, 1, 128), lambda t, e: (e[t, 0], 0, 0)),
            pl.BlockSpec((1, 1, 128), lambda t, e: (e[t, 1], 0, 0)),
            pl.BlockSpec((128, 64), lambda t, e: (0, 0)),
            pl.BlockSpec((1, 64), lambda t, e: (0, 0)),
        ],
        out_specs=pl.BlockSpec((8, 64), lambda t, e: (0, 0)),
        scratch_shapes=[pltpu.VMEM((16, 128), F32)],
    )
    return pl.pallas_call(
        _experts_body,
        grid_spec=grid_spec,
        out_shape=jax.ShapeDtypeStruct((8, 64), F32),
    )(top2m, xg, m, w1_full, w1_full, w2g, b1t, b1t, b2t, b2t, fw, fb)


def _make_pool_consts():
    lmat = np.zeros((48, 672), dtype=np.float32)
    for a in range(48):
        ch, i = divmod(a, 16)
        lmat[a, ch * 224 + i * 14:(ch * 224 + (i + 1) * 14)] = 1.0
    pmat = np.zeros((224, 16), dtype=np.float32)
    for rr in range(224):
        pmat[rr, rr // 14] = 1.0
    return jnp.asarray(lmat), jnp.asarray(pmat)


def kernel(x, yolo_W1, yolo_b1, yolo_W2, yolo_b2,
           gnn_W1, gnn_b1, gnn_W2, gnn_b2, final_W, final_b):
    bn = x.shape[0]
    lmat, pmat = _make_pool_consts()
    xg, top2_3d, m, idx2_3d = _route(
        x.reshape(bn, 672, 224), lmat, pmat,
        yolo_W1, yolo_b1, yolo_W2, yolo_b2)

    o_w2 = _sc_gather(idx2_3d.reshape(512 * bn),
                      gnn_W2.reshape(64 * 256, 128))
    w2g = o_w2.reshape(16, 256, 128)

    return _experts(top2_3d.reshape(bn, 128), xg, m, gnn_W1, w2g,
                    gnn_b1.reshape(64, 1, 256), gnn_b2.reshape(64, 1, 128),
                    final_W, final_b.reshape(1, 64))

# --- scband reference (transcript-rebuilt; emitter-appended) ---
"""Pipeline reference for scband-yolo-gnn-51049981281358 (READ-ONLY COPY).

The authoritative reference and input builder live on the scoring server;
editing this copy changes nothing except your own understanding.
"""

import jax, jax.numpy as jnp
import numpy as np

FEATURE_DIM = 512
NUM_CLASSES = 64
HIDDEN = 256
GNN_OUT = 128
TOP_K = 2
KNN = 4
B = 8


def setup_inputs(seed: int = 0):
    key = jax.random.key(seed)
    ks = jax.random.split(key, 8)
    inp = {}
    inp['x'] = jax.random.normal(ks[0], (B, 3, 224, 224), dtype=jnp.float32)
    inp['yolo_W1'] = jax.random.normal(ks[1], (768, FEATURE_DIM), dtype=jnp.float32) * 0.02
    inp['yolo_b1'] = jnp.zeros((FEATURE_DIM,), dtype=jnp.float32)
    inp['yolo_W2'] = jax.random.normal(ks[2], (FEATURE_DIM, NUM_CLASSES), dtype=jnp.float32) * 0.02
    inp['yolo_b2'] = jnp.zeros((NUM_CLASSES,), dtype=jnp.float32)
    inp['gnn_W1'] = jax.random.normal(ks[3], (NUM_CLASSES, FEATURE_DIM, HIDDEN), dtype=jnp.float32) * 0.02
    inp['gnn_b1'] = jnp.zeros((NUM_CLASSES, HIDDEN), dtype=jnp.float32)
    inp['gnn_W2'] = jax.random.normal(ks[4], (NUM_CLASSES, HIDDEN, GNN_OUT), dtype=jnp.float32) * 0.02
    inp['gnn_b2'] = jnp.zeros((NUM_CLASSES, GNN_OUT), dtype=jnp.float32)
    inp['final_W'] = jax.random.normal(ks[5], (GNN_OUT, NUM_CLASSES), dtype=jnp.float32) * 0.02
    inp['final_b'] = jnp.zeros((NUM_CLASSES,), dtype=jnp.float32)
    return inp


def _gcn_conv(x, src, dst, W, b):
    N = x.shape[0]
    loop = jnp.arange(N, dtype=src.dtype)
    s = jnp.concatenate([src, loop])
    d = jnp.concatenate([dst, loop])
    deg = jnp.zeros((N,), dtype=x.dtype).at[d].add(1.0)
    norm = jax.lax.rsqrt(deg[s]) * jax.lax.rsqrt(deg[d])
    xw = x @ W
    msg = xw[s] * norm[:, None]
    out = jnp.zeros((N, W.shape[1]), dtype=x.dtype).at[d].add(msg)
    return out + b


def _knn_graph(xg, k):
    d2 = jnp.sum((xg[:, None, :] - xg[None, :, :]) ** 2, axis=-1)
    _, idx = jax.lax.top_k(-d2, k)
    src = idx.reshape(-1)
    dst = jnp.repeat(jnp.arange(xg.shape[0]), k)
    return src, dst


def _build_graph(f):
    f = f[None, :]
    split = FEATURE_DIM // 4
    parts = [f, f[:, :split], f[:, split:2 * split], f[:, 2 * split:3 * split], f[:, 3 * split:]]
    padded = [jnp.pad(p, ((0, 0), (0, FEATURE_DIM - p.shape[1]))) for p in parts]
    return jnp.concatenate(padded, axis=0)


def reference(x, yolo_W1, yolo_b1, yolo_W2, yolo_b2, gnn_W1, gnn_b1, gnn_W2, gnn_b2, final_W, final_b):
    Bn = x.shape[0]
    p = x.reshape(Bn, 3, 16, 14, 16, 14).mean(axis=(3, 5)).reshape(Bn, -1)
    feats = jax.nn.relu(p @ yolo_W1 + yolo_b1)
    logits = feats @ yolo_W2 + yolo_b2
    _, topk_idx = jax.lax.top_k(logits, TOP_K)
    outs = []
    src = None
    dst = None
    for i in range(Bn):
        xg = _build_graph(feats[i])
        src, dst = _knn_graph(xg, KNN)
        for j in range(TOP_K):
            e = topk_idx[i, j]
            h = jax.nn.relu(_gcn_conv(xg, src, dst, gnn_W1[e], gnn_b1[e]))
            h = _gcn_conv(h, src, dst, gnn_W2[e], gnn_b2[e])
            outs.append(h.mean(axis=0))
    combined = jnp.stack(outs, axis=0)
    final = _gcn_conv(combined, src, dst, final_W, final_b)
    return final.reshape(Bn, TOP_K, -1).mean(axis=1)

if __name__ == "__main__":
    import jax
    _d = setup_inputs()
    print(jax.jit(kernel)(*tuple(_d.values())))

</pallas_src>

<mosaic_0001>
#map = affine_map<(d0, d1) -> (0)>
#map1 = affine_map<(d0, d1) -> (0, 0)>
module attributes {stable_mosaic.version = 14 : i64} {
  func.func @gather_k(%arg0: i32, %arg1: i32, %arg2: memref<4096xi32, #tpu.memory_space<hbm>>, %arg3: memref<16384x128xf32, #tpu.memory_space<hbm>>, %arg4: memref<4096x128xf32, #tpu.memory_space<hbm>>, %arg5: memref<128xi32, #tpu.memory_space<vmem>>, %arg6: memref<128x128xf32, #tpu.memory_space<vmem>>, %arg7: memref<!tpu.dma_semaphore, #tpu.memory_space<semaphore_mem>>, %arg8: memref<!tpu.dma_semaphore, #tpu.memory_space<semaphore_mem>>) attributes {dimension_semantics = [#tpu.dimension_semantics<core_parallel>, #tpu.dimension_semantics<subcore_parallel>], iteration_bounds = array<i64: 2, 16>, scalar_prefetch = 0 : i64, scratch_operands = 4 : i64, tpu.core_type = #tpu.core_type<sc_vector_subcore>, window_params = [{transform_indices = #map}, {transform_indices = #map1}, {transform_indices = #map1}]} {
    %mul3A = arith.constant 2 : i32
    %mul3A_0 = arith.muli %arg1, %mul3A : i32
    %add3A = arith.addi %mul3A_0, %arg0 : i32
    %mul3A_1 = arith.constant 128 : i32
    %mul3A_2 = arith.muli %add3A, %mul3A_1 : i32
    "tpu.region"() ({
      %run_scoped3A = tpu.sem_alloc : memref<!tpu.dma_semaphore, #tpu.memory_space<semaphore_mem>>
      %dma_start3A_17 = tpu.memref_slice %arg2[%mul3A_2] : memref<4096xi32, #tpu.memory_space<hbm>> -> memref<128xi32, #tpu.memory_space<hbm>>
      %dma_start3A_18 = tpu.memref_slice %arg2[%mul3A_2] : memref<4096xi32, #tpu.memory_space<hbm>> -> memref<128xi32, #tpu.memory_space<hbm>>
      tpu.enqueue_dma source(%dma_start3A_18 : memref<128xi32, #tpu.memory_space<hbm>>) target(%arg5 : memref<128xi32, #tpu.memory_space<vmem>>) target_semaphore(%run_scoped3A : memref<!tpu.dma_semaphore, #tpu.memory_space<semaphore_mem>>)
      %dma_wait3A_19 = tpu.memref_slice %arg2[%mul3A_2] : memref<4096xi32, #tpu.memory_space<hbm>> -> memref<128xi32, #tpu.memory_space<hbm>>
      %dma_wait3A_20 = tpu.memref_slice %arg2[%mul3A_2] : memref<4096xi32, #tpu.memory_space<hbm>> -> memref<128xi32, #tpu.memory_space<hbm>>
      tpu.wait_dma2 semaphore(%run_scoped3A : memref<!tpu.dma_semaphore, #tpu.memory_space<semaphore_mem>>) src(%dma_wait3A_20 : memref<128xi32, #tpu.memory_space<hbm>>) dst(%arg5 : memref<128xi32, #tpu.memory_space<vmem>>)
      tpu.yield
    }) : () -> ()
    %dma_start3A = arith.constant 0 : i32
    %dma_start3A_3 = arith.constant 0 : i32
    %dma_start3A_4 = tpu.memref_slice %arg3[%dma_start3A, %dma_start3A_3] : memref<16384x128xf32, #tpu.memory_space<hbm>> -> memref<16384x128xf32, #tpu.memory_space<hbm>>
    tpu.enqueue_indirect_dma source(%dma_start3A_4 : memref<16384x128xf32, #tpu.memory_space<hbm>>) target(%arg6 : memref<128x128xf32, #tpu.memory_space<vmem>>) offsets(%arg5 : memref<128xi32, #tpu.memory_space<vmem>>) semaphore(%arg7 : memref<!tpu.dma_semaphore, #tpu.memory_space<semaphore_mem>>)
    %dma_wait3A = arith.constant 0 : i32
    %dma_wait3A_5 = arith.constant 0 : i32
    %dma_wait3A_6 = tpu.memref_slice %arg3[%dma_wait3A, %dma_wait3A_5] : memref<16384x128xf32, #tpu.memory_space<hbm>> -> memref<16384x128xf32, #tpu.memory_space<hbm>>
    tpu.wait_indirect_dma semaphore(%arg7 : memref<!tpu.dma_semaphore, #tpu.memory_space<semaphore_mem>>) src(%dma_wait3A_6 : memref<16384x128xf32, #tpu.memory_space<hbm>>) dst(%arg6 : memref<128x128xf32, #tpu.memory_space<vmem>>)
    %mul3A_7 = arith.constant 128 : i32
    %mul3A_8 = arith.muli %add3A, %mul3A_7 : i32
    %dma_start3A_9 = arith.constant 0 : i32
    %dma_start3A_10 = tpu.memref_slice %arg4[%mul3A_8, %dma_start3A_9] : memref<4096x128xf32, #tpu.memory_space<hbm>> -> memref<128x128xf32, #tpu.memory_space<hbm>>
    %dma_start3A_11 = arith.constant 0 : i32
    %dma_start3A_12 = tpu.memref_slice %arg4[%mul3A_8, %dma_start3A_11] : memref<4096x128xf32, #tpu.memory_space<hbm>> -> memref<128x128xf32, #tpu.memory_space<hbm>>
    tpu.enqueue_dma source(%arg6 : memref<128x128xf32, #tpu.memory_space<vmem>>) target(%dma_start3A_12 : memref<128x128xf32, #tpu.memory_space<hbm>>) target_semaphore(%arg8 : memref<!tpu.dma_semaphore, #tpu.memory_space<semaphore_mem>>)
    %dma_wait3A_13 = arith.constant 0 : i32
    %dma_wait3A_14 = tpu.memref_slice %arg4[%mul3A_8, %dma_wait3A_13] : memref<4096x128xf32, #tpu.memory_space<hbm>> -> memref<128x128xf32, #tpu.memory_space<hbm>>
    %dma_wait3A_15 = arith.constant 0 : i32
    %dma_wait3A_16 = tpu.memref_slice %arg4[%mul3A_8, %dma_wait3A_15] : memref<4096x128xf32, #tpu.memory_space<hbm>> -> memref<128x128xf32, #tpu.memory_space<hbm>>
    tpu.wait_dma2 semaphore(%arg8 : memref<!tpu.dma_semaphore, #tpu.memory_space<semaphore_mem>>) src(%arg6 : memref<128x128xf32, #tpu.memory_space<vmem>>) dst(%dma_wait3A_16 : memref<128x128xf32, #tpu.memory_space<hbm>>)
    return
  }
}

module attributes {stable_mosaic.version = 14 : i64} {
  func.func @_experts_body(%arg0: i32, %arg1: memref<8x128xi32, #tpu.memory_space<smem>>, %arg2: memref<1x5x512xf32, #tpu.memory_space<vmem>>, %arg3: memref<1x5x5xf32, #tpu.memory_space<vmem>>, %arg4: memref<1x512x256xf32, #tpu.memory_space<vmem>>, %arg5: memref<1x512x256xf32, #tpu.memory_space<vmem>>, %arg6: memref<2x256x128xf32, #tpu.memory_space<vmem>>, %arg7: memref<1x1x256xf32, #tpu.memory_space<vmem>>, %arg8: memref<1x1x256xf32, #tpu.memory_space<vmem>>, %arg9: memref<1x1x128xf32, #tpu.memory_space<vmem>>, %arg10: memref<1x1x128xf32, #tpu.memory_space<vmem>>, %arg11: memref<128x64xf32, #tpu.memory_space<vmem>>, %arg12: memref<1x64xf32, #tpu.memory_space<vmem>>, %arg13: memref<8x64xf32, #tpu.memory_space<vmem>>, %arg14: memref<16x128xf32, #tpu.memory_space<vmem>>) attributes {dimension_semantics = [#tpu.dimension_semantics<arbitrary>], iteration_bounds = array<i64: 8>, scalar_prefetch = 1 : i64, scratch_operands = 1 : i64, tpu.core_type = #tpu.core_type<tc>, window_params = [{transform_indices = @transform_0, window_bounds = array<i64: 1, 5, 512>}, {transform_indices = @transform_1, window_bounds = array<i64: 1, 5, 5>}, {transform_indices = @transform_2, window_bounds = array<i64: 1, 512, 256>}, {transform_indices = @transform_3, window_bounds = array<i64: 1, 512, 256>}, {transform_indices = @transform_4, window_bounds = array<i64: 2, 256, 128>}, {transform_indices = @transform_5, window_bounds = array<i64: 1, 1, 256>}, {transform_indices = @transform_6, window_bounds = array<i64: 1, 1, 256>}, {transform_indices = @transform_7, window_bounds = array<i64: 1, 1, 128>}, {transform_indices = @transform_8, window_bounds = array<i64: 1, 1, 128>}, {pipeline_mode = #tpu.pipeline_mode<synchronous>, transform_indices = @transform_9, window_bounds = array<i64: 128, 64>}, {pipeline_mode = #tpu.pipeline_mode<synchronous>, transform_indices = @transform_10, window_bounds = array<i64: 1, 64>}, {pipeline_mode = #tpu.pipeline_mode<synchronous>, transform_indices = @transform_11, window_bounds = array<i64: 8, 64>}]} {
    %get3A = arith.constant 0 : index
    %get3A_0 = arith.constant 0 : index
    %get3A_1 = arith.constant 0 : index
    %get3A_2 = vector.load %arg2[%get3A, %get3A_0, %get3A_1] : memref<1x5x512xf32, #tpu.memory_space<vmem>>, vector<1x5x512xf32>
    %get3A_3 = vector.shape_cast %get3A_2 : vector<1x5x512xf32> to vector<5x512xf32>
    %get3A_4 = arith.constant 0 : index
    %get3A_5 = arith.constant 0 : index
    %get3A_6 = arith.constant 0 : index
    %get3A_7 = vector.load %arg3[%get3A_4, %get3A_5, %get3A_6] : memref<1x5x5xf32, #tpu.memory_space<vmem>>, vector<1x5x5xf32>
    %get3A_8 = vector.shape_cast %get3A_7 : vector<1x5x5xf32> to vector<5x5xf32>
    %mul3A = arith.constant 2 : i32
    %mul3A_9 = arith.muli %mul3A, %arg0 : i32
    %add3A = arith.constant 0 : i32
    %add3A_10 = arith.addi %mul3A_9, %add3A : i32
    %get3A_11 = arith.constant 0 : index
    %get3A_12 = arith.constant 0 : index
    %get3A_13 = arith.constant 0 : index
    %get3A_14 = vector.load %arg4[%get3A_11, %get3A_12, %get3A_13] : memref<1x512x256xf32, #tpu.memory_space<vmem>>, vector<1x512x256xf32>
    %get3A_15 = vector.shape_cast %get3A_14 : vector<1x512x256xf32> to vector<512x256xf32>
    %dot_general3A = arith.constant dense<0.000000e+00> : vector<5x256xf32>
    %dot_general3A_16 = tpu.matmul %get3A_3, %get3A_15, %dot_general3A {dimension_numbers = #tpu.dot_dimension_numbers<[1], [0], [0], [1], [0, 0, 1, 1], [], []>, transpose_lhs_hint = false} : vector<5x512xf32>, vector<512x256xf32>, vector<5x256xf32> -> vector<5x256xf32>
    %dot_general3A_17 = arith.constant dense<0.000000e+00> : vector<5x256xf32>
    %dot_general3A_18 = tpu.matmul %get3A_8, %dot_general3A_16, %dot_general3A_17 {dimension_numbers = #tpu.dot_dimension_numbers<[1], [0], [0], [1], [0, 0, 1, 1], [], []>, transpose_lhs_hint = false} : vector<5x5xf32>, vector<5x256xf32>, vector<5x256xf32> -> vector<5x256xf32>
    %mul3A_19 = arith.constant 2.000000e-01 : f32
    %mul3A_20 = vector.broadcast %mul3A_19 : f32 to vector<5x256xf32>
    %mul3A_21 = arith.mulf %dot_general3A_18, %mul3A_20 : vector<5x256xf32>
    %get3A_22 = arith.constant 0 : index
    %get3A_23 = arith.constant 0 : index
    %get3A_24 = arith.constant 0 : index
    %get3A_25 = vector.load %arg7[%get3A_22, %get3A_23, %get3A_24] : memref<1x1x256xf32, #tpu.memory_space<vmem>>, vector<1x1x256xf32>
    %get3A_26 = vector.shape_cast %get3A_25 : vector<1x1x256xf32> to vector<1x256xf32>
    %add3A_27 = vector.broadcast %get3A_26 : vector<1x256xf32> to vector<5x256xf32>
    %add3A_28 = arith.addf %mul3A_21, %add3A_27 : vector<5x256xf32>
    %max3A = arith.constant 0.000000e+00 : f32
    %max3A_29 = vector.broadcast %max3A : f32 to vector<5x256xf32>
    %max3A_30 = arith.maximumf %add3A_28, %max3A_29 : vector<5x256xf32>
    %get3A_31 = arith.constant 0 : index
    %get3A_32 = arith.constant 0 : index
    %get3A_33 = arith.constant 0 : index
    %get3A_34 = vector.load %arg6[%get3A_31, %get3A_32, %get3A_33] : memref<2x256x128xf32, #tpu.memory_space<vmem>>, vector<1x256x128xf32>
    %get3A_35 = vector.shape_cast %get3A_34 : vector<1x256x128xf32> to vector<256x128xf32>
    %dot_general3A_36 = arith.constant dense<0.000000e+00> : vector<5x128xf32>
    %dot_general3A_37 = tpu.matmul %max3A_30, %get3A_35, %dot_general3A_36 {dimension_numbers = #tpu.dot_dimension_numbers<[1], [0], [0], [1], [0, 0, 1, 1], [], []>, transpose_lhs_hint = false} : vector<5x256xf32>, vector<256x128xf32>, vector<5x128xf32> -> vector<5x128xf32>
    %dot_general3A_38 = arith.constant dense<0.000000e+00> : vector<5x128xf32>
    %dot_general3A_39 = tpu.matmul %get3A_8, %dot_general3A_37, %dot_general3A_38 {dimension_numbers = #tpu.dot_dimension_numbers<[1], [0], [0], [1], [0, 0, 1, 1], [], []>, transpose_lhs_hint = false} : vector<5x5xf32>, vector<5x128xf32>, vector<5x128xf32> -> vector<5x128xf32>
    %mul3A_40 = arith.constant 2.000000e-01 : f32
    %mul3A_41 = vector.broadcast %mul3A_40 : f32 to vector<5x128xf32>
    %mul3A_42 = arith.mulf %dot_general3A_39, %mul3A_41 : vector<5x128xf32>
    %get3A_43 = arith.constant 0 : index
    %get3A_44 = arith.constant 0 : index
    %get3A_45 = arith.constant 0 : index
    %get3A_46 = vector.load %arg9[%get3A_43, %get3A_44, %get3A_45] : memref<1x1x128xf32, #tpu.memory_space<vmem>>, vector<1x1x128xf32>
    %get3A_47 = vector.shape_cast %get3A_46 : vector<1x1x128xf32> to vector<1x128xf32>
    %add3A_48 = vector.broadcast %get3A_47 : vector<1x128xf32> to vector<5x128xf32>
    %add3A_49 = arith.addf %mul3A_42, %add3A_48 : vector<5x128xf32>
    %reduce_sum3A = arith.constant dense<0.000000e+00> : vector<128xf32>
    %reduce_sum3A_50 = vector.multi_reduction <add>, %add3A_49, %reduce_sum3A [0] : vector<5x128xf32> to vector<128xf32>
    %broadcast_in_dim3A = vector.shape_cast %reduce_sum3A_50 : vector<128xf32> to vector<1x128xf32>
    %div3A = arith.constant 5.000000e+00 : f32
    %div3A_51 = vector.broadcast %div3A : f32 to vector<1x128xf32>
    %div3A_52 = arith.divf %broadcast_in_dim3A, %div3A_51 : vector<1x128xf32>
    %swap3A = arith.index_cast %add3A_10 : i32 to index
    %swap3A_53 = arith.constant 0 : index
    %swap3A_54 = vector.load %arg14[%swap3A, %swap3A_53] : memref<16x128xf32, #tpu.memory_space<vmem>>, vector<1x128xf32>
    tpu.vector_store %arg14[%swap3A, %swap3A_53], %div3A_52 {strides = array<i32>} : memref<16x128xf32, #tpu.memory_space<vmem>>, vector<1x128xf32>,
    %mul3A_55 = arith.constant 2 : i32
    %mul3A_56 = arith.muli %mul3A_55, %arg0 : i32
    %add3A_57 = arith.constant 1 : i32
    %add3A_58 = arith.addi %mul3A_56, %add3A_57 : i32
    %get3A_59 = arith.constant 0 : index
    %get3A_60 = arith.constant 0 : index
    %get3A_61 = arith.constant 0 : index
    %get3A_62 = vector.load %arg5[%get3A_59, %get3A_60, %get3A_61] : memref<1x512x256xf32, #tpu.memory_space<vmem>>, vector<1x512x256xf32>
    %get3A_63 = vector.shape_cast %get3A_62 : vector<1x512x256xf32> to vector<512x256xf32>
    %dot_general3A_64 = arith.constant dense<0.000000e+00> : vector<5x256xf32>
    %dot_general3A_65 = tpu.matmul %get3A_3, %get3A_63, %dot_general3A_64 {dimension_numbers = #tpu.dot_dimension_numbers<[1], [0], [0], [1], [0, 0, 1, 1], [], []>, transpose_lhs_hint = false} : vector<5x512xf32>, vector<512x256xf32>, vector<5x256xf32> -> vector<5x256xf32>
    %dot_general3A_66 = arith.constant dense<0.000000e+00> : vector<5x256xf32>
    %dot_general3A_67 = tpu.matmul %get3A_8, %dot_general3A_65, %dot_general3A_66 {dimension_numbers = #tpu.dot_dimension_numbers<[1], [0], [0], [1], [0, 0, 1, 1], [], []>, transpose_lhs_hint = false} : vector<5x5xf32>, vector<5x256xf32>, vector<5x256xf32> -> vector<5x256xf32>
    %mul3A_68 = arith.constant 2.000000e-01 : f32
    %mul3A_69 = vector.broadcast %mul3A_68 : f32 to vector<5x256xf32>
    %mul3A_70 = arith.mulf %dot_general3A_67, %mul3A_69 : vector<5x256xf32>
    %get3A_71 = arith.constant 0 : index
    %get3A_72 = arith.constant 0 : index
    %get3A_73 = arith.constant 0 : index
    %get3A_74 = vector.load %arg8[%get3A_71, %get3A_72, %get3A_73] : memref<1x1x256xf32, #tpu.memory_space<vmem>>, vector<1x1x256xf32>
    %get3A_75 = vector.shape_cast %get3A_74 : vector<1x1x256xf32> to vector<1x256xf32>
    %add3A_76 = vector.broadcast %get3A_75 : vector<1x256xf32> to vector<5x256xf32>
    %add3A_77 = arith.addf %mul3A_70, %add3A_76 : vector<5x256xf32>
    %max3A_78 = arith.constant 0.000000e+00 : f32
    %max3A_79 = vector.broadcast %max3A_78 : f32 to vector<5x256xf32>
    %max3A_80 = arith.maximumf %add3A_77, %max3A_79 : vector<5x256xf32>
    %get3A_81 = arith.constant 1 : index
    %get3A_82 = arith.constant 0 : index
    %get3A_83 = arith.constant 0 : index
    %get3A_84 = vector.load %arg6[%get3A_81, %get3A_82, %get3A_83] : memref<2x256x128xf32, #tpu.memory_space<vmem>>, vector<1x256x128xf32>
    %get3A_85 = vector.shape_cast %get3A_84 : vector<1x256x128xf32> to vector<256x128xf32>
    %dot_general3A_86 = arith.constant dense<0.000000e+00> : vector<5x128xf32>
    %dot_general3A_87 = tpu.matmul %max3A_80, %get3A_85, %dot_general3A_86 {dimension_numbers = #tpu.dot_dimension_numbers<[1], [0], [0], [1], [0, 0, 1, 1], [], []>, transpose_lhs_hint = false} : vector<5x256xf32>, vector<256x128xf32>, vector<5x128xf32> -> vector<5x128xf32>
    %dot_general3A_88 = arith.constant dense<0.000000e+00> : vector<5x128xf32>
    %dot_general3A_89 = tpu.matmul %get3A_8, %dot_general3A_87, %dot_general3A_88 {dimension_numbers = #tpu.dot_dimension_numbers<[1], [0], [0], [1], [0, 0, 1, 1], [], []>, transpose_lhs_hint = false} : vector<5x5xf32>, vector<5x128xf32>, vector<5x128xf32> -> vector<5x128xf32>
    %mul3A_90 = arith.constant 2.000000e-01 : f32
    %mul3A_91 = vector.broadcast %mul3A_90 : f32 to vector<5x128xf32>
    %mul3A_92 = arith.mulf %dot_general3A_89, %mul3A_91 : vector<5x128xf32>
    %get3A_93 = arith.constant 0 : index
    %get3A_94 = arith.constant 0 : index
    %get3A_95 = arith.constant 0 : index
    %get3A_96 = vector.load %arg10[%get3A_93, %get3A_94, %get3A_95] : memref<1x1x128xf32, #tpu.memory_space<vmem>>, vector<1x1x128xf32>
    %get3A_97 = vector.shape_cast %get3A_96 : vector<1x1x128xf32> to vector<1x128xf32>
    %add3A_98 = vector.broadcast %get3A_97 : vector<1x128xf32> to vector<5x128xf32>
    %add3A_99 = arith.addf %mul3A_92, %add3A_98 : vector<5x128xf32>
    %reduce_sum3A_100 = arith.constant dense<0.000000e+00> : vector<128xf32>
    %reduce_sum3A_101 = vector.multi_reduction <add>, %add3A_99, %reduce_sum3A_100 [0] : vector<5x128xf32> to vector<128xf32>
    %broadcast_in_dim3A_102 = vector.shape_cast %reduce_sum3A_101 : vector<128xf32> to vector<1x128xf32>
    %div3A_103 = arith.constant 5.000000e+00 : f32
    %div3A_104 = vector.broadcast %div3A_103 : f32 to vector<1x128xf32>
    %div3A_105 = arith.divf %broadcast_in_dim3A_102, %div3A_104 : vector<1x128xf32>
    %swap3A_106 = arith.index_cast %add3A_58 : i32 to index
    %swap3A_107 = arith.constant 0 : index
    %swap3A_108 = vector.load %arg14[%swap3A_106, %swap3A_107] : memref<16x128xf32, #tpu.memory_space<vmem>>, vector<1x128xf32>
    tpu.vector_store %arg14[%swap3A_106, %swap3A_107], %div3A_105 {strides = array<i32>} : memref<16x128xf32, #tpu.memory_space<vmem>>, vector<1x128xf32>,
    %eq3A = arith.constant 7 : i32
    %eq3A_109 = arith.cmpi eq, %arg0, %eq3A : i32
    %convert_element_type3A = arith.extui %eq3A_109 : i1 to i32
    %cond3A = arith.constant 0 : i32
    %cond3A_110 = arith.cmpi ne, %convert_element_type3A, %cond3A : i32
    scf.if %cond3A_110 {
      %get3A_111 = arith.constant 0 : index
      %get3A_112 = arith.constant 0 : index
      %get3A_113 = vector.load %arg14[%get3A_111, %get3A_112] : memref<16x128xf32, #tpu.memory_space<vmem>>, vector<16x128xf32>
      %get3A_114 = arith.constant 0 : index
      %get3A_115 = arith.constant 0 : index
      %get3A_116 = vector.load %arg11[%get3A_114, %get3A_115] : memref<128x64xf32, #tpu.memory_space<vmem>>, vector<128x64xf32>
      %dot_general3A_117 = arith.constant dense<0.000000e+00> : vector<16x64xf32>
      %dot_general3A_118 = tpu.matmul %get3A_113, %get3A_116, %dot_general3A_117 {dimension_numbers = #tpu.dot_dimension_numbers<[1], [0], [0], [1], [0, 0, 1, 1], [], []>, transpose_lhs_hint = false} : vector<16x128xf32>, vector<128x64xf32>, vector<16x64xf32> -> vector<16x64xf32>
      %iota3A = tpu.iota {dimensions = array<i32: 1>} : vector<5x5xi32>
      %iota3A_119 = tpu.iota {dimensions = array<i32: 0>} : vector<5x5xi32>
      %eq3A_120 = arith.cmpi eq, %iota3A, %iota3A_119 : vector<5x5xi32>
      %convert_element_type3A_121 = arith.extui %eq3A_120 : vector<5x5xi1> to vector<5x5xi32>
      %convert_element_type3A_122 = arith.sitofp %convert_element_type3A_121 : vector<5x5xi32> to vector<5x5xf32>
      %sub3A = arith.subf %get3A_8, %convert_element_type3A_122 : vector<5x5xf32>
      %jit3A = arith.constant 0 : i32
      %convert_element_type3A_123 = arith.sitofp %jit3A : i32 to f32
      %pad3A = vector.broadcast %convert_element_type3A_123 : f32 to vector<11x5xf32>
      %pad3A_124 = tpu.concatenate %sub3A, %pad3A in 0 : vector<5x5xf32>, vector<11x5xf32> -> vector<16x5xf32>
      %pad3A_125 = vector.broadcast %convert_element_type3A_123 : f32 to vector<16x11xf32>
      %pad3A_126 = tpu.concatenate %pad3A_124, %pad3A_125 in 1 : vector<16x5xf32>, vector<16x11xf32> -> vector<16x16xf32>
      %iota3A_127 = tpu.iota {dimensions = array<i32: 0>} : vector<16x16xi32>
      %iota3A_128 = tpu.iota {dimensions = array<i32: 1>} : vector<16x16xi32>
      %eq3A_129 = arith.cmpi eq, %iota3A_127, %iota3A_128 : vector<16x16xi32>
      %lt3A = arith.constant 5 : i32
      %lt3A_130 = vector.broadcast %lt3A : i32 to vector<16x16xi32>
      %lt3A_131 = arith.cmpi slt, %iota3A_127, %lt3A_130 : vector<16x16xi32>
      %jit3A_132 = arith.constant 2.000000e-01 : f32
      %jit3A_133 = arith.constant 1.000000e+00 : f32
      %broadcast_in_dim3A_134 = vector.broadcast %jit3A_132 : f32 to vector<16x16xf32>
      %broadcast_in_dim3A_135 = vector.broadcast %jit3A_133 : f32 to vector<16x16xf32>
      %select_n3A = arith.select %lt3A_131, %broadcast_in_dim3A_134, %broadcast_in_dim3A_135 : vector<16x16xi1>, vector<16x16xf32>
      %jit3A_136 = arith.constant 0.000000e+00 : f32
      %broadcast_in_dim3A_137 = vector.broadcast %jit3A_136 : f32 to vector<16x16xf32>
      %select_n3A_138 = arith.select %eq3A_129, %select_n3A, %broadcast_in_dim3A_137 : vector<16x16xi1>, vector<16x16xf32>
      %mul3A_139 = arith.constant 2.000000e-01 : f32
      %mul3A_140 = vector.broadcast %mul3A_139 : f32 to vector<16x16xf32>
      %mul3A_141 = arith.mulf %pad3A_126, %mul3A_140 : vector<16x16xf32>
      %add3A_142 = arith.addf %select_n3A_138, %mul3A_141 : vector<16x16xf32>
      %dot_general3A_143 = arith.constant dense<0.000000e+00> : vector<16x64xf32>
      %dot_general3A_144 = tpu.matmul %add3A_142, %dot_general3A_118, %dot_general3A_143 {dimension_numbers = #tpu.dot_dimension_numbers<[1], [0], [0], [1], [0, 0, 1, 1], [], []>, transpose_lhs_hint = false} : vector<16x16xf32>, vector<16x64xf32>, vector<16x64xf32> -> vector<16x64xf32>
      %get3A_145 = arith.constant 0 : index
      %get3A_146 = arith.constant 0 : index
      %get3A_147 = vector.load %arg12[%get3A_145, %get3A_146] : memref<1x64xf32, #tpu.memory_space<vmem>>, vector<1x64xf32>
      %add3A_148 = vector.broadcast %get3A_147 : vector<1x64xf32> to vector<16x64xf32>
      %add3A_149 = arith.addf %dot_general3A_144, %add3A_148 : vector<16x64xf32>
      %iota3A_150 = tpu.iota {dimensions = array<i32: 0>} : vector<8x16xi32>
      %iota3A_151 = tpu.iota {dimensions = array<i32: 1>} : vector<8x16xi32>
      %mul3A_152 = arith.constant 2 : i32
      %mul3A_153 = vector.broadcast %mul3A_152 : i32 to vector<8x16xi32>
      %mul3A_154 = arith.muli %mul3A_153, %iota3A_150 : vector<8x16xi32>
      %eq3A_155 = arith.cmpi eq, %iota3A_151, %mul3A_154 : vector<8x16xi32>
      %mul3A_156 = arith.constant 2 : i32
      %mul3A_157 = vector.broadcast %mul3A_156 : i32 to vector<8x16xi32>
      %mul3A_158 = arith.muli %mul3A_157, %iota3A_150 : vector<8x16xi32>
      %add3A_159 = arith.constant 1 : i32
      %add3A_160 = vector.broadcast %add3A_159 : i32 to vector<8x16xi32>
      %add3A_161 = arith.addi %mul3A_158, %add3A_160 : vector<8x16xi32>
      %eq3A_162 = arith.cmpi eq, %iota3A_151, %add3A_161 : vector<8x16xi32>
      %or3A = arith.ori %eq3A_155, %eq3A_162 : vector<8x16xi1>
      %convert_element_type3A_163 = arith.extui %or3A : vector<8x16xi1> to vector<8x16xi32>
      %convert_element_type3A_164 = arith.sitofp %convert_element_type3A_163 : vector<8x16xi32> to vector<8x16xf32>
      %dot_general3A_165 = arith.constant dense<0.000000e+00> : vector<8x64xf32>
      %dot_general3A_166 = tpu.matmul %convert_element_type3A_164, %add3A_149, %dot_general3A_165 {dimension_numbers = #tpu.dot_dimension_numbers<[1], [0], [0], [1], [0, 0, 1, 1], [], []>, transpose_lhs_hint = false} : vector<8x16xf32>, vector<16x64xf32>, vector<8x64xf32> -> vector<8x64xf32>
      %mul3A_167 = arith.constant 5.000000e-01 : f32
      %mul3A_168 = vector.broadcast %mul3A_167 : f32 to vector<8x64xf32>
      %mul3A_169 = arith.mulf %dot_general3A_166, %mul3A_168 : vector<8x64xf32>
      %swap3A_170 = arith.constant 0 : index
      %swap3A_171 = arith.constant 0 : index
      %swap3A_172 = vector.load %arg13[%swap3A_170, %swap3A_171] : memref<8x64xf32, #tpu.memory_space<vmem>>, vector<8x64xf32>
      tpu.vector_store %arg13[%swap3A_170, %swap3A_171], %mul3A_169 {strides = array<i32>} : memref<8x64xf32, #tpu.memory_space<vmem>>, vector<8x64xf32>,
    } else {
    }
    return
  }
  func.func @transform_0(%arg0: i32, %arg1: memref<8x128xi32, #tpu.memory_space<smem>>) -> (i32, i32, i32) {
    %c0_i32 = arith.constant 0 : i32
    %c0_i32_0 = arith.constant 0 : i32
    %c0_i32_1 = arith.constant 0 : i32
    return %arg0, %c0_i32, %c0_i32_0 : i32, i32, i32
  }
  func.func @transform_1(%arg0: i32, %arg1: memref<8x128xi32, #tpu.memory_space<smem>>) -> (i32, i32, i32) {
    %c0_i32 = arith.constant 0 : i32
    %c0_i32_0 = arith.constant 0 : i32
    %c0_i32_1 = arith.constant 0 : i32
    return %arg0, %c0_i32, %c0_i32_0 : i32, i32, i32
  }
  func.func @transform_2(%arg0: i32, %arg1: memref<8x128xi32, #tpu.memory_space<smem>>) -> (i32, i32, i32) {
    %get3A = arith.index_cast %arg0 : i32 to index
    %get3A_0 = arith.constant 0 : index
    %get3A_1 = memref.load %arg1[%get3A, %get3A_0] : memref<8x128xi32, #tpu.memory_space<smem>>
    %c0_i32 = arith.constant 0 : i32
    %c0_i32_2 = arith.constant 0 : i32
    %c0_i32_3 = arith.constant 0 : i32
    return %get3A_1, %c0_i32, %c0_i32_2 : i32, i32, i32
  }
  func.func @transform_3(%arg0: i32, %arg1: memref<8x128xi32, #tpu.memory_space<smem>>) -> (i32, i32, i32) {
    %get3A = arith.index_cast %arg0 : i32 to index
    %get3A_0 = arith.constant 1 : index
    %get3A_1 = memref.load %arg1[%get3A, %get3A_0] : memref<8x128xi32, #tpu.memory_space<smem>>
    %c0_i32 = arith.constant 0 : i32
    %c0_i32_2 = arith.constant 0 : i32
    %c0_i32_3 = arith.constant 0 : i32
    return %get3A_1, %c0_i32, %c0_i32_2 : i32, i32, i32
  }
  func.func @transform_4(%arg0: i32, %arg1: memref<8x128xi32, #tpu.memory_space<smem>>) -> (i32, i32, i32) {
    %c0_i32 = arith.constant 0 : i32
    %c0_i32_0 = arith.constant 0 : i32
    %c0_i32_1 = arith.constant 0 : i32
    return %arg0, %c0_i32, %c0_i32_0 : i32, i32, i32
  }
  func.func @transform_5(%arg0: i32, %arg1: memref<8x128xi32, #tpu.memory_space<smem>>) -> (i32, i32, i32) {
    %get3A = arith.index_cast %arg0 : i32 to index
    %get3A_0 = arith.constant 0 : index
    %get3A_1 = memref.load %arg1[%get3A, %get3A_0] : memref<8x128xi32, #tpu.memory_space<smem>>
    %c0_i32 = arith.constant 0 : i32
    %c0_i32_2 = arith.constant 0 : i32
    %c0_i32_3 = arith.constant 0 : i32
    return %get3A_1, %c0_i32, %c0_i32_2 : i32, i32, i32
  }
  func.func @transform_6(%arg0: i32, %arg1: memref<8x128xi32, #tpu.memory_space<smem>>) -> (i32, i32, i32) {
    %get3A = arith.index_cast %arg0 : i32 to index
    %get3A_0 = arith.constant 1 : index
    %get3A_1 = memref.load %arg1[%get3A, %get3A_0] : memref<8x128xi32, #tpu.memory_space<smem>>
    %c0_i32 = arith.constant 0 : i32
    %c0_i32_2 = arith.constant 0 : i32
    %c0_i32_3 = arith.constant 0 : i32
    return %get3A_1, %c0_i32, %c0_i32_2 : i32, i32, i32
  }
  func.func @transform_7(%arg0: i32, %arg1: memref<8x128xi32, #tpu.memory_space<smem>>) -> (i32, i32, i32) {
    %get3A = arith.index_cast %arg0 : i32 to index
    %get3A_0 = arith.constant 0 : index
    %get3A_1 = memref.load %arg1[%get3A, %get3A_0] : memref<8x128xi32, #tpu.memory_space<smem>>
    %c0_i32 = arith.constant 0 : i32
    %c0_i32_2 = arith.constant 0 : i32
    %c0_i32_3 = arith.constant 0 : i32
    return %get3A_1, %c0_i32, %c0_i32_2 : i32, i32, i32
  }
  func.func @transform_8(%arg0: i32, %arg1: memref<8x128xi32, #tpu.memory_space<smem>>) -> (i32, i32, i32) {
    %get3A = arith.index_cast %arg0 : i32 to index
    %get3A_0 = arith.constant 1 : index
    %get3A_1 = memref.load %arg1[%get3A, %get3A_0] : memref<8x128xi32, #tpu.memory_space<smem>>
    %c0_i32 = arith.constant 0 : i32
    %c0_i32_2 = arith.constant 0 : i32
    %c0_i32_3 = arith.constant 0 : i32
    return %get3A_1, %c0_i32, %c0_i32_2 : i32, i32, i32
  }
  func.func @transform_9(%arg0: i32, %arg1: memref<8x128xi32, #tpu.memory_space<smem>>) -> (i32, i32) {
    %c0_i32 = arith.constant 0 : i32
    %c0_i32_0 = arith.constant 0 : i32
    %c0_i32_1 = arith.constant 0 : i32
    return %c0_i32, %c0_i32_0 : i32, i32
  }
  func.func @transform_10(%arg0: i32, %arg1: memref<8x128xi32, #tpu.memory_space<smem>>) -> (i32, i32) {
    %c0_i32 = arith.constant 0 : i32
    %c0_i32_0 = arith.constant 0 : i32
    %c0_i32_1 = arith.constant 0 : i32
    return %c0_i32, %c0_i32_0 : i32, i32
  }
  func.func @transform_11(%arg0: i32, %arg1: memref<8x128xi32, #tpu.memory_space<smem>>) -> (i32, i32) {
    %c0_i32 = arith.constant 0 : i32
    %c0_i32_0 = arith.constant 0 : i32
    %c0_i32_1 = arith.constant 0 : i32
    return %c0_i32, %c0_i32_0 : i32, i32
  }
}

module attributes {stable_mosaic.version = 14 : i64} {
  func.func @_route_body(%arg0: i32, %arg1: memref<1x672x224xf32, #tpu.memory_space<vmem>>, %arg2: memref<48x672xbf16, #tpu.memory_space<vmem>>, %arg3: memref<224x16xbf16, #tpu.memory_space<vmem>>, %arg4: memref<48x16x512xbf16, #tpu.memory_space<vmem>>, %arg5: memref<48x16x512xbf16, #tpu.memory_space<vmem>>, %arg6: memref<1x512xf32, #tpu.memory_space<vmem>>, %arg7: memref<512x64xbf16, #tpu.memory_space<vmem>>, %arg8: memref<512x64xbf16, #tpu.memory_space<vmem>>, %arg9: memref<1x64xf32, #tpu.memory_space<vmem>>, %arg10: memref<1x5x512xf32, #tpu.memory_space<vmem>>, %arg11: memref<1x1x128xi32, #tpu.memory_space<vmem>>, %arg12: memref<1x5x5xf32, #tpu.memory_space<vmem>>, %arg13: memref<1x1x512xi32, #tpu.memory_space<vmem>>) attributes {dimension_semantics = [#tpu.dimension_semantics<arbitrary>], iteration_bounds = array<i64: 8>, scalar_prefetch = 0 : i64, scratch_operands = 0 : i64, tpu.core_type = #tpu.core_type<tc>, window_params = [{transform_indices = @transform_0, window_bounds = array<i64: 1, 672, 224>}, {pipeline_mode = #tpu.pipeline_mode<synchronous>, transform_indices = @transform_1, window_bounds = array<i64: 48, 672>}, {pipeline_mode = #tpu.pipeline_mode<synchronous>, transform_indices = @transform_2, window_bounds = array<i64: 224, 16>}, {pipeline_mode = #tpu.pipeline_mode<synchronous>, transform_indices = @transform_3, window_bounds = array<i64: 48, 16, 512>}, {pipeline_mode = #tpu.pipeline_mode<synchronous>, transform_indices = @transform_4, window_bounds = array<i64: 48, 16, 512>}, {pipeline_mode = #tpu.pipeline_mode<synchronous>, transform_indices = @transform_5, window_bounds = array<i64: 1, 512>}, {pipeline_mode = #tpu.pipeline_mode<synchronous>, transform_indices = @transform_6, window_bounds = array<i64: 512, 64>}, {pipeline_mode = #tpu.pipeline_mode<synchronous>, transform_indices = @transform_7, window_bounds = array<i64: 512, 64>}, {pipeline_mode = #tpu.pipeline_mode<synchronous>, transform_indices = @transform_8, window_bounds = array<i64: 1, 64>}, {transform_indices = @transform_9, window_bounds = array<i64: 1, 5, 512>}, {transform_indices = @transform_10, window_bounds = array<i64: 1, 1, 128>}, {transform_indices = @transform_11, window_bounds = array<i64: 1, 5, 5>}, {transform_indices = @transform_12, window_bounds = array<i64: 1, 1, 512>}]} {
    %get3A = arith.constant 0 : index
    %get3A_0 = arith.constant 0 : index
    %get3A_1 = arith.constant 0 : index
    %get3A_2 = vector.load %arg1[%get3A, %get3A_0, %get3A_1] : memref<1x672x224xf32, #tpu.memory_space<vmem>>, vector<1x672x224xf32>
    %get3A_3 = vector.shape_cast %get3A_2 : vector<1x672x224xf32> to vector<672x224xf32>
    %convert_element_type3A = arith.truncf %get3A_3 : vector<672x224xf32> to vector<672x224xbf16>
    %convert_element_type3A_4 = arith.extf %convert_element_type3A : vector<672x224xbf16> to vector<672x224xf32>
    %sub3A = arith.subf %get3A_3, %convert_element_type3A_4 : vector<672x224xf32>
    %convert_element_type3A_5 = arith.truncf %sub3A : vector<672x224xf32> to vector<672x224xbf16>
    %get3A_6 = arith.constant 0 : index
    %get3A_7 = arith.constant 0 : index
    %get3A_8 = vector.load %arg2[%get3A_6, %get3A_7] : memref<48x672xbf16, #tpu.memory_space<vmem>>, vector<48x672xbf16>
    %dot_general3A = arith.constant dense<0.000000e+00> : vector<48x224xf32>
    %dot_general3A_9 = tpu.matmul %get3A_8, %convert_element_type3A, %dot_general3A {dimension_numbers = #tpu.dot_dimension_numbers<[1], [0], [0], [1], [0, 0, 1, 1], [], []>, transpose_lhs_hint = false} : vector<48x672xbf16>, vector<672x224xbf16>, vector<48x224xf32> -> vector<48x224xf32>
    %dot_general3A_10 = arith.constant dense<0.000000e+00> : vector<48x224xf32>
    %dot_general3A_11 = tpu.matmul %get3A_8, %convert_element_type3A_5, %dot_general3A_10 {dimension_numbers = #tpu.dot_dimension_numbers<[1], [0], [0], [1], [0, 0, 1, 1], [], []>, transpose_lhs_hint = false} : vector<48x672xbf16>, vector<672x224xbf16>, vector<48x224xf32> -> vector<48x224xf32>
    %add3A = arith.addf %dot_general3A_9, %dot_general3A_11 : vector<48x224xf32>
    %convert_element_type3A_12 = arith.truncf %add3A : vector<48x224xf32> to vector<48x224xbf16>
    %convert_element_type3A_13 = arith.extf %convert_element_type3A_12 : vector<48x224xbf16> to vector<48x224xf32>
    %sub3A_14 = arith.subf %add3A, %convert_element_type3A_13 : vector<48x224xf32>
    %convert_element_type3A_15 = arith.truncf %sub3A_14 : vector<48x224xf32> to vector<48x224xbf16>
    %get3A_16 = arith.constant 0 : index
    %get3A_17 = arith.constant 0 : index
    %get3A_18 = vector.load %arg3[%get3A_16, %get3A_17] : memref<224x16xbf16, #tpu.memory_space<vmem>>, vector<224x16xbf16>
    %dot_general3A_19 = arith.constant dense<0.000000e+00> : vector<48x16xf32>
    %dot_general3A_20 = tpu.matmul %convert_element_type3A_12, %get3A_18, %dot_general3A_19 {dimension_numbers = #tpu.dot_dimension_numbers<[1], [0], [0], [1], [0, 0, 1, 1], [], []>, transpose_lhs_hint = false} : vector<48x224xbf16>, vector<224x16xbf16>, vector<48x16xf32> -> vector<48x16xf32>
    %dot_general3A_21 = arith.constant dense<0.000000e+00> : vector<48x16xf32>
    %dot_general3A_22 = tpu.matmul %convert_element_type3A_15, %get3A_18, %dot_general3A_21 {dimension_numbers = #tpu.dot_dimension_numbers<[1], [0], [0], [1], [0, 0, 1, 1], [], []>, transpose_lhs_hint = false} : vector<48x224xbf16>, vector<224x16xbf16>, vector<48x16xf32> -> vector<48x16xf32>
    %add3A_23 = arith.addf %dot_general3A_20, %dot_general3A_22 : vector<48x16xf32>
    %mul3A = arith.constant 0.00510204071 : f32
    %mul3A_24 = vector.broadcast %mul3A : f32 to vector<48x16xf32>
    %mul3A_25 = arith.mulf %add3A_23, %mul3A_24 : vector<48x16xf32>
    %convert_element_type3A_26 = arith.truncf %mul3A_25 : vector<48x16xf32> to vector<48x16xbf16>
    %convert_element_type3A_27 = arith.extf %convert_element_type3A_26 : vector<48x16xbf16> to vector<48x16xf32>
    %sub3A_28 = arith.subf %mul3A_25, %convert_element_type3A_27 : vector<48x16xf32>
    %convert_element_type3A_29 = arith.truncf %sub3A_28 : vector<48x16xf32> to vector<48x16xbf16>
    %slice3A = vector.extract_strided_slice %convert_element_type3A_26 {offsets = [0, 0], sizes = [1, 16], strides = [1, 1]} : vector<48x16xbf16> to vector<1x16xbf16>
    %slice3A_30 = vector.extract_strided_slice %convert_element_type3A_29 {offsets = [0, 0], sizes = [1, 16], strides = [1, 1]} : vector<48x16xbf16> to vector<1x16xbf16>
    %get3A_31 = arith.constant 0 : index
    %get3A_32 = arith.constant 0 : index
    %get3A_33 = arith.constant 0 : index
    %get3A_34 = vector.load %arg4[%get3A_31, %get3A_32, %get3A_33] : memref<48x16x512xbf16, #tpu.memory_space<vmem>>, vector<1x16x512xbf16>
    %get3A_35 = vector.shape_cast %get3A_34 : vector<1x16x512xbf16> to vector<16x512xbf16>
    %get3A_36 = arith.constant 0 : index
    %get3A_37 = arith.constant 0 : index
    %get3A_38 = arith.constant 0 : index
    %get3A_39 = vector.load %arg5[%get3A_36, %get3A_37, %get3A_38] : memref<48x16x512xbf16, #tpu.memory_space<vmem>>, vector<1x16x512xbf16>
    %get3A_40 = vector.shape_cast %get3A_39 : vector<1x16x512xbf16> to vector<16x512xbf16>
    %dot_general3A_41 = arith.constant dense<0.000000e+00> : vector<1x512xf32>
    %dot_general3A_42 = tpu.matmul %slice3A, %get3A_35, %dot_general3A_41 {dimension_numbers = #tpu.dot_dimension_numbers<[1], [0], [0], [1], [0, 0, 1, 1], [], []>, transpose_lhs_hint = false} : vector<1x16xbf16>, vector<16x512xbf16>, vector<1x512xf32> -> vector<1x512xf32>
    %dot_general3A_43 = arith.constant dense<0.000000e+00> : vector<1x512xf32>
    %dot_general3A_44 = tpu.matmul %slice3A, %get3A_40, %dot_general3A_43 {dimension_numbers = #tpu.dot_dimension_numbers<[1], [0], [0], [1], [0, 0, 1, 1], [], []>, transpose_lhs_hint = false} : vector<1x16xbf16>, vector<16x512xbf16>, vector<1x512xf32> -> vector<1x512xf32>
    %add3A_45 = arith.addf %dot_general3A_42, %dot_general3A_44 : vector<1x512xf32>
    %dot_general3A_46 = arith.constant dense<0.000000e+00> : vector<1x512xf32>
    %dot_general3A_47 = tpu.matmul %slice3A_30, %get3A_35, %dot_general3A_46 {dimension_numbers = #tpu.dot_dimension_numbers<[1], [0], [0], [1], [0, 0, 1, 1], [], []>, transpose_lhs_hint = false} : vector<1x16xbf16>, vector<16x512xbf16>, vector<1x512xf32> -> vector<1x512xf32>
    %add3A_48 = arith.addf %add3A_45, %dot_general3A_47 : vector<1x512xf32>
    %slice3A_49 = vector.extract_strided_slice %convert_element_type3A_26 {offsets = [1, 0], sizes = [1, 16], strides = [1, 1]} : vector<48x16xbf16> to vector<1x16xbf16>
    %slice3A_50 = vector.extract_strided_slice %convert_element_type3A_29 {offsets = [1, 0], sizes = [1, 16], strides = [1, 1]} : vector<48x16xbf16> to vector<1x16xbf16>
    %get3A_51 = arith.constant 1 : index
    %get3A_52 = arith.constant 0 : index
    %get3A_53 = arith.constant 0 : index
    %get3A_54 = vector.load %arg4[%get3A_51, %get3A_52, %get3A_53] : memref<48x16x512xbf16, #tpu.memory_space<vmem>>, vector<1x16x512xbf16>
    %get3A_55 = vector.shape_cast %get3A_54 : vector<1x16x512xbf16> to vector<16x512xbf16>
    %get3A_56 = arith.constant 1 : index
    %get3A_57 = arith.constant 0 : index
    %get3A_58 = arith.constant 0 : index
    %get3A_59 = vector.load %arg5[%get3A_56, %get3A_57, %get3A_58] : memref<48x16x512xbf16, #tpu.memory_space<vmem>>, vector<1x16x512xbf16>
    %get3A_60 = vector.shape_cast %get3A_59 : vector<1x16x512xbf16> to vector<16x512xbf16>
    %dot_general3A_61 = arith.constant dense<0.000000e+00> : vector<1x512xf32>
    %dot_general3A_62 = tpu.matmul %slice3A_49, %get3A_55, %dot_general3A_61 {dimension_numbers = #tpu.dot_dimension_numbers<[1], [0], [0], [1], [0, 0, 1, 1], [], []>, transpose_lhs_hint = false} : vector<1x16xbf16>, vector<16x512xbf16>, vector<1x512xf32> -> vector<1x512xf32>
    %dot_general3A_63 = arith.constant dense<0.000000e+00> : vector<1x512xf32>
    %dot_general3A_64 = tpu.matmul %slice3A_49, %get3A_60, %dot_general3A_63 {dimension_numbers = #tpu.dot_dimension_numbers<[1], [0], [0], [1], [0, 0, 1, 1], [], []>, transpose_lhs_hint = false} : vector<1x16xbf16>, vector<16x512xbf16>, vector<1x512xf32> -> vector<1x512xf32>
    %add3A_65 = arith.addf %dot_general3A_62, %dot_general3A_64 : vector<1x512xf32>
    %dot_general3A_66 = arith.constant dense<0.000000e+00> : vector<1x512xf32>
    %dot_general3A_67 = tpu.matmul %slice3A_50, %get3A_55, %dot_general3A_66 {dimension_numbers = #tpu.dot_dimension_numbers<[1], [0], [0], [1], [0, 0, 1, 1], [], []>, transpose_lhs_hint = false} : vector<1x16xbf16>, vector<16x512xbf16>, vector<1x512xf32> -> vector<1x512xf32>
    %add3A_68 = arith.addf %add3A_65, %dot_general3A_67 : vector<1x512xf32>
    %slice3A_69 = vector.extract_strided_slice %convert_element_type3A_26 {offsets = [2, 0], sizes = [1, 16], strides = [1, 1]} : vector<48x16xbf16> to vector<1x16xbf16>
    %slice3A_70 = vector.extract_strided_slice %convert_element_type3A_29 {offsets = [2, 0], sizes = [1, 16], strides = [1, 1]} : vector<48x16xbf16> to vector<1x16xbf16>
    %get3A_71 = arith.constant 2 : index
    %get3A_72 = arith.constant 0 : index
    %get3A_73 = arith.constant 0 : index
    %get3A_74 = vector.load %arg4[%get3A_71, %get3A_72, %get3A_73] : memref<48x16x512xbf16, #tpu.memory_space<vmem>>, vector<1x16x512xbf16>
    %get3A_75 = vector.shape_cast %get3A_74 : vector<1x16x512xbf16> to vector<16x512xbf16>
    %get3A_76 = arith.constant 2 : index
    %get3A_77 = arith.constant 0 : index
    %get3A_78 = arith.constant 0 : index
    %get3A_79 = vector.load %arg5[%get3A_76, %get3A_77, %get3A_78] : memref<48x16x512xbf16, #tpu.memory_space<vmem>>, vector<1x16x512xbf16>
    %get3A_80 = vector.shape_cast %get3A_79 : vector<1x16x512xbf16> to vector<16x512xbf16>
    %dot_general3A_81 = arith.constant dense<0.000000e+00> : vector<1x512xf32>
    %dot_general3A_82 = tpu.matmul %slice3A_69, %get3A_75, %dot_general3A_81 {dimension_numbers = #tpu.dot_dimension_numbers<[1], [0], [0], [1], [0, 0, 1, 1], [], []>, transpose_lhs_hint = false} : vector<1x16xbf16>, vector<16x512xbf16>, vector<1x512xf32> -> vector<1x512xf32>
    %dot_general3A_83 = arith.constant dense<0.000000e+00> : vector<1x512xf32>
    %dot_general3A_84 = tpu.matmul %slice3A_69, %get3A_80, %dot_general3A_83 {dimension_numbers = #tpu.dot_dimension_numbers<[1], [0], [0], [1], [0, 0, 1, 1], [], []>, transpose_lhs_hint = false} : vector<1x16xbf16>, vector<16x512xbf16>, vector<1x512xf32> -> vector<1x512xf32>
    %add3A_85 = arith.addf %dot_general3A_82, %dot_general3A_84 : vector<1x512xf32>
    %dot_general3A_86 = arith.constant dense<0.000000e+00> : vector<1x512xf32>
    %dot_general3A_87 = tpu.matmul %slice3A_70, %get3A_75, %dot_general3A_86 {dimension_numbers = #tpu.dot_dimension_numbers<[1], [0], [0], [1], [0, 0, 1, 1], [], []>, transpose_lhs_hint = false} : vector<1x16xbf16>, vector<16x512xbf16>, vector<1x512xf32> -> vector<1x512xf32>
    %add3A_88 = arith.addf %add3A_85, %dot_general3A_87 : vector<1x512xf32>
    %slice3A_89 = vector.extract_strided_slice %convert_element_type3A_26 {offsets = [3, 0], sizes = [1, 16], strides = [1, 1]} : vector<48x16xbf16> to vector<1x16xbf16>
    %slice3A_90 = vector.extract_strided_slice %convert_element_type3A_29 {offsets = [3, 0], sizes = [1, 16], strides = [1, 1]} : vector<48x16xbf16> to vector<1x16xbf16>
    %get3A_91 = arith.constant 3 : index
    %get3A_92 = arith.constant 0 : index
    %get3A_93 = arith.constant 0 : index
    %get3A_94 = vector.load %arg4[%get3A_91, %get3A_92, %get3A_93] : memref<48x16x512xbf16, #tpu.memory_space<vmem>>, vector<1x16x512xbf16>
    %get3A_95 = vector.shape_cast %get3A_94 : vector<1x16x512xbf16> to vector<16x512xbf16>
    %get3A_96 = arith.constant 3 : index
    %get3A_97 = arith.constant 0 : index
    %get3A_98 = arith.constant 0 : index
    %get3A_99 = vector.load %arg5[%get3A_96, %get3A_97, %get3A_98] : memref<48x16x512xbf16, #tpu.memory_space<vmem>>, vector<1x16x512xbf16>
    %get3A_100 = vector.shape_cast %get3A_99 : vector<1x16x512xbf16> to vector<16x512xbf16>
    %dot_general3A_101 = arith.constant dense<0.000000e+00> : vector<1x512xf32>
    %dot_general3A_102 = tpu.matmul %slice3A_89, %get3A_95, %dot_general3A_101 {dimension_numbers = #tpu.dot_dimension_numbers<[1], [0], [0], [1], [0, 0, 1, 1], [], []>, transpose_lhs_hint = false} : vector<1x16xbf16>, vector<16x512xbf16>, vector<1x512xf32> -> vector<1x512xf32>
    %dot_general3A_103 = arith.constant dense<0.000000e+00> : vector<1x512xf32>
    %dot_general3A_104 = tpu.matmul %slice3A_89, %get3A_100, %dot_general3A_103 {dimension_numbers = #tpu.dot_dimension_numbers<[1], [0], [0], [1], [0, 0, 1, 1], [], []>, transpose_lhs_hint = false} : vector<1x16xbf16>, vector<16x512xbf16>, vector<1x512xf32> -> vector<1x512xf32>
    %add3A_105 = arith.addf %dot_general3A_102, %dot_general3A_104 : vector<1x512xf32>
    %dot_general3A_106 = arith.constant dense<0.000000e+00> : vector<1x512xf32>
    %dot_general3A_107 = tpu.matmul %slice3A_90, %get3A_95, %dot_general3A_106 {dimension_numbers = #tpu.dot_dimension_numbers<[1], [0], [0], [1], [0, 0, 1, 1], [], []>, transpose_lhs_hint = false} : vector<1x16xbf16>, vector<16x512xbf16>, vector<1x512xf32> -> vector<1x512xf32>
    %add3A_108 = arith.addf %add3A_105, %dot_general3A_107 : vector<1x512xf32>
    %slice3A_109 = vector.extract_strided_slice %convert_element_type3A_26 {offsets = [4, 0], sizes = [1, 16], strides = [1, 1]} : vector<48x16xbf16> to vector<1x16xbf16>
    %slice3A_110 = vector.extract_strided_slice %convert_element_type3A_29 {offsets = [4, 0], sizes = [1, 16], strides = [1, 1]} : vector<48x16xbf16> to vector<1x16xbf16>
    %get3A_111 = arith.constant 4 : index
    %get3A_112 = arith.constant 0 : index
    %get3A_113 = arith.constant 0 : index
    %get3A_114 = vector.load %arg4[%get3A_111, %get3A_112, %get3A_113] : memref<48x16x512xbf16, #tpu.memory_space<vmem>>, vector<1x16x512xbf16>
    %get3A_115 = vector.shape_cast %get3A_114 : vector<1x16x512xbf16> to vector<16x512xbf16>
    %get3A_116 = arith.constant 4 : index
    %get3A_117 = arith.constant 0 : index
    %get3A_118 = arith.constant 0 : index
    %get3A_119 = vector.load %arg5[%get3A_116, %get3A_117, %get3A_118] : memref<48x16x512xbf16, #tpu.memory_space<vmem>>, vector<1x16x512xbf16>
    %get3A_120 = vector.shape_cast %get3A_119 : vector<1x16x512xbf16> to vector<16x512xbf16>
    %dot_general3A_121 = arith.constant dense<0.000000e+00> : vector<1x512xf32>
    %dot_general3A_122 = tpu.matmul %slice3A_109, %get3A_115, %dot_general3A_121 {dimension_numbers = #tpu.dot_dimension_numbers<[1], [0], [0], [1], [0, 0, 1, 1], [], []>, transpose_lhs_hint = false} : vector<1x16xbf16>, vector<16x512xbf16>, vector<1x512xf32> -> vector<1x512xf32>
    %dot_general3A_123 = arith.constant dense<0.000000e+00> : vector<1x512xf32>
    %dot_general3A_124 = tpu.matmul %slice3A_109, %get3A_120, %dot_general3A_123 {dimension_numbers = #tpu.dot_dimension_numbers<[1], [0], [0], [1], [0, 0, 1, 1], [], []>, transpose_lhs_hint = false} : vector<1x16xbf16>, vector<16x512xbf16>, vector<1x512xf32> -> vector<1x512xf32>
    %add3A_125 = arith.addf %dot_general3A_122, %dot_general3A_124 : vector<1x512xf32>
    %dot_general3A_126 = arith.constant dense<0.000000e+00> : vector<1x512xf32>
    %dot_general3A_127 = tpu.matmul %slice3A_110, %get3A_115, %dot_general3A_126 {dimension_numbers = #tpu.dot_dimension_numbers<[1], [0], [0], [1], [0, 0, 1, 1], [], []>, transpose_lhs_hint = false} : vector<1x16xbf16>, vector<16x512xbf16>, vector<1x512xf32> -> vector<1x512xf32>
    %add3A_128 = arith.addf %add3A_125, %dot_general3A_127 : vector<1x512xf32>
    %add3A_129 = arith.addf %add3A_48, %add3A_128 : vector<1x512xf32>
    %slice3A_130 = vector.extract_strided_slice %convert_element_type3A_26 {offsets = [5, 0], sizes = [1, 16], strides = [1, 1]} : vector<48x16xbf16> to vector<1x16xbf16>
    %slice3A_131 = vector.extract_strided_slice %convert_element_type3A_29 {offsets = [5, 0], sizes = [1, 16], strides = [1, 1]} : vector<48x16xbf16> to vector<1x16xbf16>
    %get3A_132 = arith.constant 5 : index
    %get3A_133 = arith.constant 0 : index
    %get3A_134 = arith.constant 0 : index
    %get3A_135 = vector.load %arg4[%get3A_132, %get3A_133, %get3A_134] : memref<48x16x512xbf16, #tpu.memory_space<vmem>>, vector<1x16x512xbf16>
    %get3A_136 = vector.shape_cast %get3A_135 : vector<1x16x512xbf16> to vector<16x512xbf16>
    %get3A_137 = arith.constant 5 : index
    %get3A_138 = arith.constant 0 : index
    %get3A_139 = arith.constant 0 : index
    %get3A_140 = vector.load %arg5[%get3A_137, %get3A_138, %get3A_139] : memref<48x16x512xbf16, #tpu.memory_space<vmem>>, vector<1x16x512xbf16>
    %get3A_141 = vector.shape_cast %get3A_140 : vector<1x16x512xbf16> to vector<16x512xbf16>
    %dot_general3A_142 = arith.constant dense<0.000000e+00> : vector<1x512xf32>
    %dot_general3A_143 = tpu.matmul %slice3A_130, %get3A_136, %dot_general3A_142 {dimension_numbers = #tpu.dot_dimension_numbers<[1], [0], [0], [1], [0, 0, 1, 1], [], []>, transpose_lhs_hint = false} : vector<1x16xbf16>, vector<16x512xbf16>, vector<1x512xf32> -> vector<1x512xf32>
    %dot_general3A_144 = arith.constant dense<0.000000e+00> : vector<1x512xf32>
    %dot_general3A_145 = tpu.matmul %slice3A_130, %get3A_141, %dot_general3A_144 {dimension_numbers = #tpu.dot_dimension_numbers<[1], [0], [0], [1], [0, 0, 1, 1], [], []>, transpose_lhs_hint = false} : vector<1x16xbf16>, vector<16x512xbf16>, vector<1x512xf32> -> vector<1x512xf32>
    %add3A_146 = arith.addf %dot_general3A_143, %dot_general3A_145 : vector<1x512xf32>
    %dot_general3A_147 = arith.constant dense<0.000000e+00> : vector<1x512xf32>
    %dot_general3A_148 = tpu.matmul %slice3A_131, %get3A_136, %dot_general3A_147 {dimension_numbers = #tpu.dot_dimension_numbers<[1], [0], [0], [1], [0, 0, 1, 1], [], []>, transpose_lhs_hint = false} : vector<1x16xbf16>, vector<16x512xbf16>, vector<1x512xf32> -> vector<1x512xf32>
    %add3A_149 = arith.addf %add3A_146, %dot_general3A_148 : vector<1x512xf32>
    %add3A_150 = arith.addf %add3A_68, %add3A_149 : vector<1x512xf32>
    %slice3A_151 = vector.extract_strided_slice %convert_element_type3A_26 {offsets = [6, 0], sizes = [1, 16], strides = [1, 1]} : vector<48x16xbf16> to vector<1x16xbf16>
    %slice3A_152 = vector.extract_strided_slice %convert_element_type3A_29 {offsets = [6, 0], sizes = [1, 16], strides = [1, 1]} : vector<48x16xbf16> to vector<1x16xbf16>
    %get3A_153 = arith.constant 6 : index
    %get3A_154 = arith.constant 0 : index
    %get3A_155 = arith.constant 0 : index
    %get3A_156 = vector.load %arg4[%get3A_153, %get3A_154, %get3A_155] : memref<48x16x512xbf16, #tpu.memory_space<vmem>>, vector<1x16x512xbf16>
    %get3A_157 = vector.shape_cast %get3A_156 : vector<1x16x512xbf16> to vector<16x512xbf16>
    %get3A_158 = arith.constant 6 : index
    %get3A_159 = arith.constant 0 : index
    %get3A_160 = arith.constant 0 : index
    %get3A_161 = vector.load %arg5[%get3A_158, %get3A_159, %get3A_160] : memref<48x16x512xbf16, #tpu.memory_space<vmem>>, vector<1x16x512xbf16>
    %get3A_162 = vector.shape_cast %get3A_161 : vector<1x16x512xbf16> to vector<16x512xbf16>
    %dot_general3A_163 = arith.constant dense<0.000000e+00> : vector<1x512xf32>
    %dot_general3A_164 = tpu.matmul %slice3A_151, %get3A_157, %dot_general3A_163 {dimension_numbers = #tpu.dot_dimension_numbers<[1], [0], [0], [1], [0, 0, 1, 1], [], []>, transpose_lhs_hint = false} : vector<1x16xbf16>, vector<16x512xbf16>, vector<1x512xf32> -> vector<1x512xf32>
    %dot_general3A_165 = arith.constant dense<0.000000e+00> : vector<1x512xf32>
    %dot_general3A_166 = tpu.matmul %slice3A_151, %get3A_162, %dot_general3A_165 {dimension_numbers = #tpu.dot_dimension_numbers<[1], [0], [0], [1], [0, 0, 1, 1], [], []>, transpose_lhs_hint = false} : vector<1x16xbf16>, vector<16x512xbf16>, vector<1x512xf32> -> vector<1x512xf32>
    %add3A_167 = arith.addf %dot_general3A_164, %dot_general3A_166 : vector<1x512xf32>
    %dot_general3A_168 = arith.constant dense<0.000000e+00> : vector<1x512xf32>
    %dot_general3A_169 = tpu.matmul %slice3A_152, %get3A_157, %dot_general3A_168 {dimension_numbers = #tpu.dot_dimension_numbers<[1], [0], [0], [1], [0, 0, 1, 1], [], []>, transpose_lhs_hint = false} : vector<1x16xbf16>, vector<16x512xbf16>, vector<1x512xf32> -> vector<1x512xf32>
    %add3A_170 = arith.addf %add3A_167, %dot_general3A_169 : vector<1x512xf32>
    %add3A_171 = arith.addf %add3A_88, %add3A_170 : vector<1x512xf32>
    %slice3A_172 = vector.extract_strided_slice %convert_element_type3A_26 {offsets = [7, 0], sizes = [1, 16], strides = [1, 1]} : vector<48x16xbf16> to vector<1x16xbf16>
    %slice3A_173 = vector.extract_strided_slice %convert_element_type3A_29 {offsets = [7, 0], sizes = [1, 16], strides = [1, 1]} : vector<48x16xbf16> to vector<1x16xbf16>
    %get3A_174 = arith.constant 7 : index
    %get3A_175 = arith.constant 0 : index
    %get3A_176 = arith.constant 0 : index
    %get3A_177 = vector.load %arg4[%get3A_174, %get3A_175, %get3A_176] : memref<48x16x512xbf16, #tpu.memory_space<vmem>>, vector<1x16x512xbf16>
    %get3A_178 = vector.shape_cast %get3A_177 : vector<1x16x512xbf16> to vector<16x512xbf16>
    %get3A_179 = arith.constant 7 : index
    %get3A_180 = arith.constant 0 : index
    %get3A_181 = arith.constant 0 : index
    %get3A_182 = vector.load %arg5[%get3A_179, %get3A_180, %get3A_181] : memref<48x16x512xbf16, #tpu.memory_space<vmem>>, vector<1x16x512xbf16>
    %get3A_183 = vector.shape_cast %get3A_182 : vector<1x16x512xbf16> to vector<16x512xbf16>
    %dot_general3A_184 = arith.constant dense<0.000000e+00> : vector<1x512xf32>
    %dot_general3A_185 = tpu.matmul %slice3A_172, %get3A_178, %dot_general3A_184 {dimension_numbers = #tpu.dot_dimension_numbers<[1], [0], [0], [1], [0, 0, 1, 1], [], []>, transpose_lhs_hint = false} : vector<1x16xbf16>, vector<16x512xbf16>, vector<1x512xf32> -> vector<1x512xf32>
    %dot_general3A_186 = arith.constant dense<0.000000e+00> : vector<1x512xf32>
    %dot_general3A_187 = tpu.matmul %slice3A_172, %get3A_183, %dot_general3A_186 {dimension_numbers = #tpu.dot_dimension_numbers<[1], [0], [0], [1], [0, 0, 1, 1], [], []>, transpose_lhs_hint = false} : vector<1x16xbf16>, vector<16x512xbf16>, vector<1x512xf32> -> vector<1x512xf32>
    %add3A_188 = arith.addf %dot_general3A_185, %dot_general3A_187 : vector<1x512xf32>
    %dot_general3A_189 = arith.constant dense<0.000000e+00> : vector<1x512xf32>
    %dot_general3A_190 = tpu.matmul %slice3A_173, %get3A_178, %dot_general3A_189 {dimension_numbers = #tpu.dot_dimension_numbers<[1], [0], [0], [1], [0, 0, 1, 1], [], []>, transpose_lhs_hint = false} : vector<1x16xbf16>, vector<16x512xbf16>, vector<1x512xf32> -> vector<1x512xf32>
    %add3A_191 = arith.addf %add3A_188, %dot_general3A_190 : vector<1x512xf32>
    %add3A_192 = arith.addf %add3A_108, %add3A_191 : vector<1x512xf32>
    %slice3A_193 = vector.extract_strided_slice %convert_element_type3A_26 {offsets = [8, 0], sizes = [1, 16], strides = [1, 1]} : vector<48x16xbf16> to vector<1x16xbf16>
    %slice3A_194 = vector.extract_strided_slice %convert_element_type3A_29 {offsets = [8, 0], sizes = [1, 16], strides = [1, 1]} : vector<48x16xbf16> to vector<1x16xbf16>
    %get3A_195 = arith.constant 8 : index
    %get3A_196 = arith.constant 0 : index
    %get3A_197 = arith.constant 0 : index
    %get3A_198 = vector.load %arg4[%get3A_195, %get3A_196, %get3A_197] : memref<48x16x512xbf16, #tpu.memory_space<vmem>>, vector<1x16x512xbf16>
    %get3A_199 = vector.shape_cast %get3A_198 : vector<1x16x512xbf16> to vector<16x512xbf16>
    %get3A_200 = arith.constant 8 : index
    %get3A_201 = arith.constant 0 : index
    %get3A_202 = arith.constant 0 : index
    %get3A_203 = vector.load %arg5[%get3A_200, %get3A_201, %get3A_202] : memref<48x16x512xbf16, #tpu.memory_space<vmem>>, vector<1x16x512xbf16>
    %get3A_204 = vector.shape_cast %get3A_203 : vector<1x16x512xbf16> to vector<16x512xbf16>
    %dot_general3A_205 = arith.constant dense<0.000000e+00> : vector<1x512xf32>
    %dot_general3A_206 = tpu.matmul %slice3A_193, %get3A_199, %dot_general3A_205 {dimension_numbers = #tpu.dot_dimension_numbers<[1], [0], [0], [1], [0, 0, 1, 1], [], []>, transpose_lhs_hint = false} : vector<1x16xbf16>, vector<16x512xbf16>, vector<1x512xf32> -> vector<1x512xf32>
    %dot_general3A_207 = arith.constant dense<0.000000e+00> : vector<1x512xf32>
    %dot_general3A_208 = tpu.matmul %slice3A_193, %get3A_204, %dot_general3A_207 {dimension_numbers = #tpu.dot_dimension_numbers<[1], [0], [0], [1], [0, 0, 1, 1], [], []>, transpose_lhs_hint = false} : vector<1x16xbf16>, vector<16x512xbf16>, vector<1x512xf32> -> vector<1x512xf32>
    %add3A_209 = arith.addf %dot_general3A_206, %dot_general3A_208 : vector<1x512xf32>
    %dot_general3A_210 = arith.constant dense<0.000000e+00> : vector<1x512xf32>
    %dot_general3A_211 = tpu.matmul %slice3A_194, %get3A_199, %dot_general3A_210 {dimension_numbers = #tpu.dot_dimension_numbers<[1], [0], [0], [1], [0, 0, 1, 1], [], []>, transpose_lhs_hint = false} : vector<1x16xbf16>, vector<16x512xbf16>, vector<1x512xf32> -> vector<1x512xf32>
    %add3A_212 = arith.addf %add3A_209, %dot_general3A_211 : vector<1x512xf32>
    %add3A_213 = arith.addf %add3A_129, %add3A_212 : vector<1x512xf32>
    %slice3A_214 = vector.extract_strided_slice %convert_element_type3A_26 {offsets = [9, 0], sizes = [1, 16], strides = [1, 1]} : vector<48x16xbf16> to vector<1x16xbf16>
    %slice3A_215 = vector.extract_strided_slice %convert_element_type3A_29 {offsets = [9, 0], sizes = [1, 16], strides = [1, 1]} : vector<48x16xbf16> to vector<1x16xbf16>
    %get3A_216 = arith.constant 9 : index
    %get3A_217 = arith.constant 0 : index
    %get3A_218 = arith.constant 0 : index
    %get3A_219 = vector.load %arg4[%get3A_216, %get3A_217, %get3A_218] : memref<48x16x512xbf16, #tpu.memory_space<vmem>>, vector<1x16x512xbf16>
    %get3A_220 = vector.shape_cast %get3A_219 : vector<1x16x512xbf16> to vector<16x512xbf16>
    %get3A_221 = arith.constant 9 : index
    %get3A_222 = arith.constant 0 : index
    %get3A_223 = arith.constant 0 : index
    %get3A_224 = vector.load %arg5[%get3A_221, %get3A_222, %get3A_223] : memref<48x16x512xbf16, #tpu.memory_space<vmem>>, vector<1x16x512xbf16>
    %get3A_225 = vector.shape_cast %get3A_224 : vector<1x16x512xbf16> to vector<16x512xbf16>
    %dot_general3A_226 = arith.constant dense<0.000000e+00> : vector<1x512xf32>
    %dot_general3A_227 = tpu.matmul %slice3A_214, %get3A_220, %dot_general3A_226 {dimension_numbers = #tpu.dot_dimension_numbers<[1], [0], [0], [1], [0, 0, 1, 1], [], []>, transpose_lhs_hint = false} : vector<1x16xbf16>, vector<16x512xbf16>, vector<1x512xf32> -> vector<1x512xf32>
    %dot_general3A_228 = arith.constant dense<0.000000e+00> : vector<1x512xf32>
    %dot_general3A_229 = tpu.matmul %slice3A_214, %get3A_225, %dot_general3A_228 {dimension_numbers = #tpu.dot_dimension_numbers<[1], [0], [0], [1], [0, 0, 1, 1], [], []>, transpose_lhs_hint = false} : vector<1x16xbf16>, vector<16x512xbf16>, vector<1x512xf32> -> vector<1x512xf32>
    %add3A_230 = arith.addf %dot_general3A_227, %dot_general3A_229 : vector<1x512xf32>
    %dot_general3A_231 = arith.constant dense<0.000000e+00> : vector<1x512xf32>
    %dot_general3A_232 = tpu.matmul %slice3A_215, %get3A_220, %dot_general3A_231 {dimension_numbers = #tpu.dot_dimension_numbers<[1], [0], [0], [1], [0, 0, 1, 1], [], []>, transpose_lhs_hint = false} : vector<1x16xbf16>, vector<16x512xbf16>, vector<1x512xf32> -> vector<1x512xf32>
    %add3A_233 = arith.addf %add3A_230, %dot_general3A_232 : vector<1x512xf32>
    %add3A_234 = arith.addf %add3A_150, %add3A_233 : vector<1x512xf32>
    %slice3A_235 = vector.extract_strided_slice %convert_element_type3A_26 {offsets = [10, 0], sizes = [1, 16], strides = [1, 1]} : vector<48x16xbf16> to vector<1x16xbf16>
    %slice3A_236 = vector.extract_strided_slice %convert_element_type3A_29 {offsets = [10, 0], sizes = [1, 16], strides = [1, 1]} : vector<48x16xbf16> to vector<1x16xbf16>
    %get3A_237 = arith.constant 10 : index
    %get3A_238 = arith.constant 0 : index
    %get3A_239 = arith.constant 0 : index
    %get3A_240 = vector.load %arg4[%get3A_237, %get3A_238, %get3A_239] : memref<48x16x512xbf16, #tpu.memory_space<vmem>>, vector<1x16x512xbf16>
    %get3A_241 = vector.shape_cast %get3A_240 : vector<1x16x512xbf16> to vector<16x512xbf16>
    %get3A_242 = arith.constant 10 : index
    %get3A_243 = arith.constant 0 : index
    %get3A_244 = arith.constant 0 : index
    %get3A_245 = vector.load %arg5[%get3A_242, %get3A_243, %get3A_244] : memref<48x16x512xbf16, #tpu.memory_space<vmem>>, vector<1x16x512xbf16>
    %get3A_246 = vector.shape_cast %get3A_245 : vector<1x16x512xbf16> to vector<16x512xbf16>
    %dot_general3A_247 = arith.constant dense<0.000000e+00> : vector<1x512xf32>
    %dot_general3A_248 = tpu.matmul %slice3A_235, %get3A_241, %dot_general3A_247 {dimension_numbers = #tpu.dot_dimension_numbers<[1], [0], [0], [1], [0, 0, 1, 1], [], []>, transpose_lhs_hint = false} : vector<1x16xbf16>, vector<16x512xbf16>, vector<1x512xf32> -> vector<1x512xf32>
    %dot_general3A_249 = arith.constant dense<0.000000e+00> : vector<1x512xf32>
    %dot_general3A_250 = tpu.matmul %slice3A_235, %get3A_246, %dot_general3A_249 {dimension_numbers = #tpu.dot_dimension_numbers<[1], [0], [0], [1], [0, 0, 1, 1], [], []>, transpose_lhs_hint = false} : vector<1x16xbf16>, vector<16x512xbf16>, vector<1x512xf32> -> vector<1x512xf32>
    %add3A_251 = arith.addf %dot_general3A_248, %dot_general3A_250 : vector<1x512xf32>
    %dot_general3A_252 = arith.constant dense<0.000000e+00> : vector<1x512xf32>
    %dot_general3A_253 = tpu.matmul %slice3A_236, %get3A_241, %dot_general3A_252 {dimension_numbers = #tpu.dot_dimension_numbers<[1], [0], [0], [1], [0, 0, 1, 1], [], []>, transpose_lhs_hint = false} : vector<1x16xbf16>, vector<16x512xbf16>, vector<1x512xf32> -> vector<1x512xf32>
    %add3A_254 = arith.addf %add3A_251, %dot_general3A_253 : vector<1x512xf32>
    %add3A_255 = arith.addf %add3A_171, %add3A_254 : vector<1x512xf32>
    %slice3A_256 = vector.extract_strided_slice %convert_element_type3A_26 {offsets = [11, 0], sizes = [1, 16], strides = [1, 1]} : vector<48x16xbf16> to vector<1x16xbf16>
    %slice3A_257 = vector.extract_strided_slice %convert_element_type3A_29 {offsets = [11, 0], sizes = [1, 16], strides = [1, 1]} : vector<48x16xbf16> to vector<1x16xbf16>
    %get3A_258 = arith.constant 11 : index
    %get3A_259 = arith.constant 0 : index
    %get3A_260 = arith.constant 0 : index
    %get3A_261 = vector.load %arg4[%get3A_258, %get3A_259, %get3A_260] : memref<48x16x512xbf16, #tpu.memory_space<vmem>>, vector<1x16x512xbf16>
    %get3A_262 = vector.shape_cast %get3A_261 : vector<1x16x512xbf16> to vector<16x512xbf16>
    %get3A_263 = arith.constant 11 : index
    %get3A_264 = arith.constant 0 : index
    %get3A_265 = arith.constant 0 : index
    %get3A_266 = vector.load %arg5[%get3A_263, %get3A_264, %get3A_265] : memref<48x16x512xbf16, #tpu.memory_space<vmem>>, vector<1x16x512xbf16>
    %get3A_267 = vector.shape_cast %get3A_266 : vector<1x16x512xbf16> to vector<16x512xbf16>
    %dot_general3A_268 = arith.constant dense<0.000000e+00> : vector<1x512xf32>
    %dot_general3A_269 = tpu.matmul %slice3A_256, %get3A_262, %dot_general3A_268 {dimension_numbers = #tpu.dot_dimension_numbers<[1], [0], [0], [1], [0, 0, 1, 1], [], []>, transpose_lhs_hint = false} : vector<1x16xbf16>, vector<16x512xbf16>, vector<1x512xf32> -> vector<1x512xf32>
    %dot_general3A_270 = arith.constant dense<0.000000e+00> : vector<1x512xf32>
    %dot_general3A_271 = tpu.matmul %slice3A_256, %get3A_267, %dot_general3A_270 {dimension_numbers = #tpu.dot_dimension_numbers<[1], [0], [0], [1], [0, 0, 1, 1], [], []>, transpose_lhs_hint = false} : vector<1x16xbf16>, vector<16x512xbf16>, vector<1x512xf32> -> vector<1x512xf32>
    %add3A_272 = arith.addf %dot_general3A_269, %dot_general3A_271 : vector<1x512xf32>
    %dot_general3A_273 = arith.constant dense<0.000000e+00> : vector<1x512xf32>
    %dot_general3A_274 = tpu.matmul %slice3A_257, %get3A_262, %dot_general3A_273 {dimension_numbers = #tpu.dot_dimension_numbers<[1], [0], [0], [1], [0, 0, 1, 1], [], []>, transpose_lhs_hint = false} : vector<1x16xbf16>, vector<16x512xbf16>, vector<1x512xf32> -> vector<1x512xf32>
    %add3A_275 = arith.addf %add3A_272, %dot_general3A_274 : vector<1x512xf32>
    %add3A_276 = arith.addf %add3A_192, %add3A_275 : vector<1x512xf32>
    %slice3A_277 = vector.extract_strided_slice %convert_element_type3A_26 {offsets = [12, 0], sizes = [1, 16], strides = [1, 1]} : vector<48x16xbf16> to vector<1x16xbf16>
    %slice3A_278 = vector.extract_strided_slice %convert_element_type3A_29 {offsets = [12, 0], sizes = [1, 16], strides = [1, 1]} : vector<48x16xbf16> to vector<1x16xbf16>
    %get3A_279 = arith.constant 12 : index
    %get3A_280 = arith.constant 0 : index
    %get3A_281 = arith.constant 0 : index
    %get3A_282 = vector.load %arg4[%get3A_279, %get3A_280, %get3A_281] : memref<48x16x512xbf16, #tpu.memory_space<vmem>>, vector<1x16x512xbf16>
    %get3A_283 = vector.shape_cast %get3A_282 : vector<1x16x512xbf16> to vector<16x512xbf16>
    %get3A_284 = arith.constant 12 : index
    %get3A_285 = arith.constant 0 : index
    %get3A_286 = arith.constant 0 : index
    %get3A_287 = vector.load %arg5[%get3A_284, %get3A_285, %get3A_286] : memref<48x16x512xbf16, #tpu.memory_space<vmem>>, vector<1x16x512xbf16>
    %get3A_288 = vector.shape_cast %get3A_287 : vector<1x16x512xbf16> to vector<16x512xbf16>
    %dot_general3A_289 = arith.constant dense<0.000000e+00> : vector<1x512xf32>
    %dot_general3A_290 = tpu.matmul %slice3A_277, %get3A_283, %dot_general3A_289 {dimension_numbers = #tpu.dot_dimension_numbers<[1], [0], [0], [1], [0, 0, 1, 1], [], []>, transpose_lhs_hint = false} : vector<1x16xbf16>, vector<16x512xbf16>, vector<1x512xf32> -> vector<1x512xf32>
    %dot_general3A_291 = arith.constant dense<0.000000e+00> : vector<1x512xf32>
    %dot_general3A_292 = tpu.matmul %slice3A_277, %get3A_288, %dot_general3A_291 {dimension_numbers = #tpu.dot_dimension_numbers<[1], [0], [0], [1], [0, 0, 1, 1], [], []>, transpose_lhs_hint = false} : vector<1x16xbf16>, vector<16x512xbf16>, vector<1x512xf32> -> vector<1x512xf32>
    %add3A_293 = arith.addf %dot_general3A_290, %dot_general3A_292 : vector<1x512xf32>
    %dot_general3A_294 = arith.constant dense<0.000000e+00> : vector<1x512xf32>
    %dot_general3A_295 = tpu.matmul %slice3A_278, %get3A_283, %dot_general3A_294 {dimension_numbers = #tpu.dot_dimension_numbers<[1], [0], [0], [1], [0, 0, 1, 1], [], []>, transpose_lhs_hint = false} : vector<1x16xbf16>, vector<16x512xbf16>, vector<1x512xf32> -> vector<1x512xf32>
    %add3A_296 = arith.addf %add3A_293, %dot_general3A_295 : vector<1x512xf32>
    %add3A_297 = arith.addf %add3A_213, %add3A_296 : vector<1x512xf32>
    %slice3A_298 = vector.extract_strided_slice %convert_element_type3A_26 {offsets = [13, 0], sizes = [1, 16], strides = [1, 1]} : vector<48x16xbf16> to vector<1x16xbf16>
    %slice3A_299 = vector.extract_strided_slice %convert_element_type3A_29 {offsets = [13, 0], sizes = [1, 16], strides = [1, 1]} : vector<48x16xbf16> to vector<1x16xbf16>
    %get3A_300 = arith.constant 13 : index
    %get3A_301 = arith.constant 0 : index
    %get3A_302 = arith.constant 0 : index
    %get3A_303 = vector.load %arg4[%get3A_300, %get3A_301, %get3A_302] : memref<48x16x512xbf16, #tpu.memory_space<vmem>>, vector<1x16x512xbf16>
    %get3A_304 = vector.shape_cast %get3A_303 : vector<1x16x512xbf16> to vector<16x512xbf16>
    %get3A_305 = arith.constant 13 : index
    %get3A_306 = arith.constant 0 : index
    %get3A_307 = arith.constant 0 : index
    %get3A_308 = vector.load %arg5[%get3A_305, %get3A_306, %get3A_307] : memref<48x16x512xbf16, #tpu.memory_space<vmem>>, vector<1x16x512xbf16>
    %get3A_309 = vector.shape_cast %get3A_308 : vector<1x16x512xbf16> to vector<16x512xbf16>
    %dot_general3A_310 = arith.constant dense<0.000000e+00> : vector<1x512xf32>
    %dot_general3A_311 = tpu.matmul %slice3A_298, %get3A_304, %dot_general3A_310 {dimension_numbers = #tpu.dot_dimension_numbers<[1], [0], [0], [1], [0, 0, 1, 1], [], []>, transpose_lhs_hint = false} : vector<1x16xbf16>, vector<16x512xbf16>, vector<1x512xf32> -> vector<1x512xf32>
    %dot_general3A_312 = arith.constant dense<0.000000e+00> : vector<1x512xf32>
    %dot_general3A_313 = tpu.matmul %slice3A_298, %get3A_309, %dot_general3A_312 {dimension_numbers = #tpu.dot_dimension_numbers<[1], [0], [0], [1], [0, 0, 1, 1], [], []>, transpose_lhs_hint = false} : vector<1x16xbf16>, vector<16x512xbf16>, vector<1x512xf32> -> vector<1x512xf32>
    %add3A_314 = arith.addf %dot_general3A_311, %dot_general3A_313 : vector<1x512xf32>
    %dot_general3A_315 = arith.constant dense<0.000000e+00> : vector<1x512xf32>
    %dot_general3A_316 = tpu.matmul %slice3A_299, %get3A_304, %dot_general3A_315 {dimension_numbers = #tpu.dot_dimension_numbers<[1], [0], [0], [1], [0, 0, 1, 1], [], []>, transpose_lhs_hint = false} : vector<1x16xbf16>, vector<16x512xbf16>, vector<1x512xf32> -> vector<1x512xf32>
    %add3A_317 = arith.addf %add3A_314, %dot_general3A_316 : vector<1x512xf32>
    %add3A_318 = arith.addf %add3A_234, %add3A_317 : vector<1x512xf32>
    %slice3A_319 = vector.extract_strided_slice %convert_element_type3A_26 {offsets = [14, 0], sizes = [1, 16], strides = [1, 1]} : vector<48x16xbf16> to vector<1x16xbf16>
    %slice3A_320 = vector.extract_strided_slice %convert_element_type3A_29 {offsets = [14, 0], sizes = [1, 16], strides = [1, 1]} : vector<48x16xbf16> to vector<1x16xbf16>
    %get3A_321 = arith.constant 14 : index
    %get3A_322 = arith.constant 0 : index
    %get3A_323 = arith.constant 0 : index
    %get3A_324 = vector.load %arg4[%get3A_321, %get3A_322, %get3A_323] : memref<48x16x512xbf16, #tpu.memory_space<vmem>>, vector<1x16x512xbf16>
    %get3A_325 = vector.shape_cast %get3A_324 : vector<1x16x512xbf16> to vector<16x512xbf16>
    %get3A_326 = arith.constant 14 : index
    %get3A_327 = arith.constant 0 : index
    %get3A_328 = arith.constant 0 : index
    %get3A_329 = vector.load %arg5[%get3A_326, %get3A_327, %get3A_328] : memref<48x16x512xbf16, #tpu.memory_space<vmem>>, vector<1x16x512xbf16>
    %get3A_330 = vector.shape_cast %get3A_329 : vector<1x16x512xbf16> to vector<16x512xbf16>
    %dot_general3A_331 = arith.constant dense<0.000000e+00> : vector<1x512xf32>
    %dot_general3A_332 = tpu.matmul %slice3A_319, %get3A_325, %dot_general3A_331 {dimension_numbers = #tpu.dot_dimension_numbers<[1], [0], [0], [1], [0, 0, 1, 1], [], []>, transpose_lhs_hint = false} : vector<1x16xbf16>, vector<16x512xbf16>, vector<1x512xf32> -> vector<1x512xf32>
    %dot_general3A_333 = arith.constant dense<0.000000e+00> : vector<1x512xf32>
    %dot_general3A_334 = tpu.matmul %slice3A_319, %get3A_330, %dot_general3A_333 {dimension_numbers = #tpu.dot_dimension_numbers<[1], [0], [0], [1], [0, 0, 1, 1], [], []>, transpose_lhs_hint = false} : vector<1x16xbf16>, vector<16x512xbf16>, vector<1x512xf32> -> vector<1x512xf32>
    %add3A_335 = arith.addf %dot_general3A_332, %dot_general3A_334 : vector<1x512xf32>
    %dot_general3A_336 = arith.constant dense<0.000000e+00> : vector<1x512xf32>
    %dot_general3A_337 = tpu.matmul %slice3A_320, %get3A_325, %dot_general3A_336 {dimension_numbers = #tpu.dot_dimension_numbers<[1], [0], [0], [1], [0, 0, 1, 1], [], []>, transpose_lhs_hint = false} : vector<1x16xbf16>, vector<16x512xbf16>, vector<1x512xf32> -> vector<1x512xf32>
    %add3A_338 = arith.addf %add3A_335, %dot_general3A_337 : vector<1x512xf32>
    %add3A_339 = arith.addf %add3A_255, %add3A_338 : vector<1x512xf32>
    %slice3A_340 = vector.extract_strided_slice %convert_element_type3A_26 {offsets = [15, 0], sizes = [1, 16], strides = [1, 1]} : vector<48x16xbf16> to vector<1x16xbf16>
    %slice3A_341 = vector.extract_strided_slice %convert_element_type3A_29 {offsets = [15, 0], sizes = [1, 16], strides = [1, 1]} : vector<48x16xbf16> to vector<1x16xbf16>
    %get3A_342 = arith.constant 15 : index
    %get3A_343 = arith.constant 0 : index
    %get3A_344 = arith.constant 0 : index
    %get3A_345 = vector.load %arg4[%get3A_342, %get3A_343, %get3A_344] : memref<48x16x512xbf16, #tpu.memory_space<vmem>>, vector<1x16x512xbf16>
    %get3A_346 = vector.shape_cast %get3A_345 : vector<1x16x512xbf16> to vector<16x512xbf16>
    %get3A_347 = arith.constant 15 : index
    %get3A_348 = arith.constant 0 : index
    %get3A_349 = arith.constant 0 : index
    %get3A_350 = vector.load %arg5[%get3A_347, %get3A_348, %get3A_349] : memref<48x16x512xbf16, #tpu.memory_space<vmem>>, vector<1x16x512xbf16>
    %get3A_351 = vector.shape_cast %get3A_350 : vector<1x16x512xbf16> to vector<16x512xbf16>
    %dot_general3A_352 = arith.constant dense<0.000000e+00> : vector<1x512xf32>
    %dot_general3A_353 = tpu.matmul %slice3A_340, %get3A_346, %dot_general3A_352 {dimension_numbers = #tpu.dot_dimension_numbers<[1], [0], [0], [1], [0, 0, 1, 1], [], []>, transpose_lhs_hint = false} : vector<1x16xbf16>, vector<16x512xbf16>, vector<1x512xf32> -> vector<1x512xf32>
    %dot_general3A_354 = arith.constant dense<0.000000e+00> : vector<1x512xf32>
    %dot_general3A_355 = tpu.matmul %slice3A_340, %get3A_351, %dot_general3A_354 {dimension_numbers = #tpu.dot_dimension_numbers<[1], [0], [0], [1], [0, 0, 1, 1], [], []>, transpose_lhs_hint = false} : vector<1x16xbf16>, vector<16x512xbf16>, vector<1x512xf32> -> vector<1x512xf32>
    %add3A_356 = arith.addf %dot_general3A_353, %dot_general3A_355 : vector<1x512xf32>
    %dot_general3A_357 = arith.constant dense<0.000000e+00> : vector<1x512xf32>
    %dot_general3A_358 = tpu.matmul %slice3A_341, %get3A_346, %dot_general3A_357 {dimension_numbers = #tpu.dot_dimension_numbers<[1], [0], [0], [1], [0, 0, 1, 1], [], []>, transpose_lhs_hint = false} : vector<1x16xbf16>, vector<16x512xbf16>, vector<1x512xf32> -> vector<1x512xf32>
    %add3A_359 = arith.addf %add3A_356, %dot_general3A_358 : vector<1x512xf32>
    %add3A_360 = arith.addf %add3A_276, %add3A_359 : vector<1x512xf32>
    %slice3A_361 = vector.extract_strided_slice %convert_element_type3A_26 {offsets = [16, 0], sizes = [1, 16], strides = [1, 1]} : vector<48x16xbf16> to vector<1x16xbf16>
    %slice3A_362 = vector.extract_strided_slice %convert_element_type3A_29 {offsets = [16, 0], sizes = [1, 16], strides = [1, 1]} : vector<48x16xbf16> to vector<1x16xbf16>
    %get3A_363 = arith.constant 16 : index
    %get3A_364 = arith.constant 0 : index
    %get3A_365 = arith.constant 0 : index
    %get3A_366 = vector.load %arg4[%get3A_363, %get3A_364, %get3A_365] : memref<48x16x512xbf16, #tpu.memory_space<vmem>>, vector<1x16x512xbf16>
    %get3A_367 = vector.shape_cast %get3A_366 : vector<1x16x512xbf16> to vector<16x512xbf16>
    %get3A_368 = arith.constant 16 : index
    %get3A_369 = arith.constant 0 : index
    %get3A_370 = arith.constant 0 : index
    %get3A_371 = vector.load %arg5[%get3A_368, %get3A_369, %get3A_370] : memref<48x16x512xbf16, #tpu.memory_space<vmem>>, vector<1x16x512xbf16>
    %get3A_372 = vector.shape_cast %get3A_371 : vector<1x16x512xbf16> to vector<16x512xbf16>
    %dot_general3A_373 = arith.constant dense<0.000000e+00> : vector<1x512xf32>
    %dot_general3A_374 = tpu.matmul %slice3A_361, %get3A_367, %dot_general3A_373 {dimension_numbers = #tpu.dot_dimension_numbers<[1], [0], [0], [1], [0, 0, 1, 1], [], []>, transpose_lhs_hint = false} : vector<1x16xbf16>, vector<16x512xbf16>, vector<1x512xf32> -> vector<1x512xf32>
    %dot_general3A_375 = arith.constant dense<0.000000e+00> : vector<1x512xf32>
    %dot_general3A_376 = tpu.matmul %slice3A_361, %get3A_372, %dot_general3A_375 {dimension_numbers = #tpu.dot_dimension_numbers<[1], [0], [0], [1], [0, 0, 1, 1], [], []>, transpose_lhs_hint = false} : vector<1x16xbf16>, vector<16x512xbf16>, vector<1x512xf32> -> vector<1x512xf32>
    %add3A_377 = arith.addf %dot_general3A_374, %dot_general3A_376 : vector<1x512xf32>
    %dot_general3A_378 = arith.constant dense<0.000000e+00> : vector<1x512xf32>
    %dot_general3A_379 = tpu.matmul %slice3A_362, %get3A_367, %dot_general3A_378 {dimension_numbers = #tpu.dot_dimension_numbers<[1], [0], [0], [1], [0, 0, 1, 1], [], []>, transpose_lhs_hint = false} : vector<1x16xbf16>, vector<16x512xbf16>, vector<1x512xf32> -> vector<1x512xf32>
    %add3A_380 = arith.addf %add3A_377, %dot_general3A_379 : vector<1x512xf32>
    %add3A_381 = arith.addf %add3A_297, %add3A_380 : vector<1x512xf32>
    %slice3A_382 = vector.extract_strided_slice %convert_element_type3A_26 {offsets = [17, 0], sizes = [1, 16], strides = [1, 1]} : vector<48x16xbf16> to vector<1x16xbf16>
    %slice3A_383 = vector.extract_strided_slice %convert_element_type3A_29 {offsets = [17, 0], sizes = [1, 16], strides = [1, 1]} : vector<48x16xbf16> to vector<1x16xbf16>
    %get3A_384 = arith.constant 17 : index
    %get3A_385 = arith.constant 0 : index
    %get3A_386 = arith.constant 0 : index
    %get3A_387 = vector.load %arg4[%get3A_384, %get3A_385, %get3A_386] : memref<48x16x512xbf16, #tpu.memory_space<vmem>>, vector<1x16x512xbf16>
    %get3A_388 = vector.shape_cast %get3A_387 : vector<1x16x512xbf16> to vector<16x512xbf16>
    %get3A_389 = arith.constant 17 : index
    %get3A_390 = arith.constant 0 : index
    %get3A_391 = arith.constant 0 : index
    %get3A_392 = vector.load %arg5[%get3A_389, %get3A_390, %get3A_391] : memref<48x16x512xbf16, #tpu.memory_space<vmem>>, vector<1x16x512xbf16>
    %get3A_393 = vector.shape_cast %get3A_392 : vector<1x16x512xbf16> to vector<16x512xbf16>
    %dot_general3A_394 = arith.constant dense<0.000000e+00> : vector<1x512xf32>
    %dot_general3A_395 = tpu.matmul %slice3A_382, %get3A_388, %dot_general3A_394 {dimension_numbers = #tpu.dot_dimension_numbers<[1], [0], [0], [1], [0, 0, 1, 1], [], []>, transpose_lhs_hint = false} : vector<1x16xbf16>, vector<16x512xbf16>, vector<1x512xf32> -> vector<1x512xf32>
    %dot_general3A_396 = arith.constant dense<0.000000e+00> : vector<1x512xf32>
    %dot_general3A_397 = tpu.matmul %slice3A_382, %get3A_393, %dot_general3A_396 {dimension_numbers = #tpu.dot_dimension_numbers<[1], [0], [0], [1], [0, 0, 1, 1], [], []>, transpose_lhs_hint = false} : vector<1x16xbf16>, vector<16x512xbf16>, vector<1x512xf32> -> vector<1x512xf32>
    %add3A_398 = arith.addf %dot_general3A_395, %dot_general3A_397 : vector<1x512xf32>
    %dot_general3A_399 = arith.constant dense<0.000000e+00> : vector<1x512xf32>
    %dot_general3A_400 = tpu.matmul %slice3A_383, %get3A_388, %dot_general3A_399 {dimension_numbers = #tpu.dot_dimension_numbers<[1], [0], [0], [1], [0, 0, 1, 1], [], []>, transpose_lhs_hint = false} : vector<1x16xbf16>, vector<16x512xbf16>, vector<1x512xf32> -> vector<1x512xf32>
    %add3A_401 = arith.addf %add3A_398, %dot_general3A_400 : vector<1x512xf32>
    %add3A_402 = arith.addf %add3A_318, %add3A_401 : vector<1x512xf32>
    %slice3A_403 = vector.extract_strided_slice %convert_element_type3A_26 {offsets = [18, 0], sizes = [1, 16], strides = [1, 1]} : vector<48x16xbf16> to vector<1x16xbf16>
    %slice3A_404 = vector.extract_strided_slice %convert_element_type3A_29 {offsets = [18, 0], sizes = [1, 16], strides = [1, 1]} : vector<48x16xbf16> to vector<1x16xbf16>
    %get3A_405 = arith.constant 18 : index
    %get3A_406 = arith.constant 0 : index
    %get3A_407 = arith.constant 0 : index
    %get3A_408 = vector.load %arg4[%get3A_405, %get3A_406, %get3A_407] : memref<48x16x512xbf16, #tpu.memory_space<vmem>>, vector<1x16x512xbf16>
    %get3A_409 = vector.shape_cast %get3A_408 : vector<1x16x512xbf16> to vector<16x512xbf16>
    %get3A_410 = arith.constant 18 : index
    %get3A_411 = arith.constant 0 : index
    %get3A_412 = arith.constant 0 : index
    %get3A_413 = vector.load %arg5[%get3A_410, %get3A_411, %get3A_412] : memref<48x16x512xbf16, #tpu.memory_space<vmem>>, vector<1x16x512xbf16>
    %get3A_414 = vector.shape_cast %get3A_413 : vector<1x16x512xbf16> to vector<16x512xbf16>
    %dot_general3A_415 = arith.constant dense<0.000000e+00> : vector<1x512xf32>
    %dot_general3A_416 = tpu.matmul %slice3A_403, %get3A_409, %dot_general3A_415 {dimension_numbers = #tpu.dot_dimension_numbers<[1], [0], [0], [1], [0, 0, 1, 1], [], []>, transpose_lhs_hint = false} : vector<1x16xbf16>, vector<16x512xbf16>, vector<1x512xf32> -> vector<1x512xf32>
    %dot_general3A_417 = arith.constant dense<0.000000e+00> : vector<1x512xf32>
    %dot_general3A_418 = tpu.matmul %slice3A_403, %get3A_414, %dot_general3A_417 {dimension_numbers = #tpu.dot_dimension_numbers<[1], [0], [0], [1], [0, 0, 1, 1], [], []>, transpose_lhs_hint = false} : vector<1x16xbf16>, vector<16x512xbf16>, vector<1x512xf32> -> vector<1x512xf32>
    %add3A_419 = arith.addf %dot_general3A_416, %dot_general3A_418 : vector<1x512xf32>
    %dot_general3A_420 = arith.constant dense<0.000000e+00> : vector<1x512xf32>
    %dot_general3A_421 = tpu.matmul %slice3A_404, %get3A_409, %dot_general3A_420 {dimension_numbers = #tpu.dot_dimension_numbers<[1], [0], [0], [1], [0, 0, 1, 1], [], []>, transpose_lhs_hint = false} : vector<1x16xbf16>, vector<16x512xbf16>, vector<1x512xf32> -> vector<1x512xf32>
    %add3A_422 = arith.addf %add3A_419, %dot_general3A_421 : vector<1x512xf32>
    %add3A_423 = arith.addf %add3A_339, %add3A_422 : vector<1x512xf32>
    %slice3A_424 = vector.extract_strided_slice %convert_element_type3A_26 {offsets = [19, 0], sizes = [1, 16], strides = [1, 1]} : vector<48x16xbf16> to vector<1x16xbf16>
    %slice3A_425 = vector.extract_strided_slice %convert_element_type3A_29 {offsets = [19, 0], sizes = [1, 16], strides = [1, 1]} : vector<48x16xbf16> to vector<1x16xbf16>
    %get3A_426 = arith.constant 19 : index
    %get3A_427 = arith.constant 0 : index
    %get3A_428 = arith.constant 0 : index
    %get3A_429 = vector.load %arg4[%get3A_426, %get3A_427, %get3A_428] : memref<48x16x512xbf16, #tpu.memory_space<vmem>>, vector<1x16x512xbf16>
    %get3A_430 = vector.shape_cast %get3A_429 : vector<1x16x512xbf16> to vector<16x512xbf16>
    %get3A_431 = arith.constant 19 : index
    %get3A_432 = arith.constant 0 : index
    %get3A_433 = arith.constant 0 : index
    %get3A_434 = vector.load %arg5[%get3A_431, %get3A_432, %get3A_433] : memref<48x16x512xbf16, #tpu.memory_space<vmem>>, vector<1x16x512xbf16>
    %get3A_435 = vector.shape_cast %get3A_434 : vector<1x16x512xbf16> to vector<16x512xbf16>
    %dot_general3A_436 = arith.constant dense<0.000000e+00> : vector<1x512xf32>
    %dot_general3A_437 = tpu.matmul %slice3A_424, %get3A_430, %dot_general3A_436 {dimension_numbers = #tpu.dot_dimension_numbers<[1], [0], [0], [1], [0, 0, 1, 1], [], []>, transpose_lhs_hint = false} : vector<1x16xbf16>, vector<16x512xbf16>, vector<1x512xf32> -> vector<1x512xf32>
    %dot_general3A_438 = arith.constant dense<0.000000e+00> : vector<1x512xf32>
    %dot_general3A_439 = tpu.matmul %slice3A_424, %get3A_435, %dot_general3A_438 {dimension_numbers = #tpu.dot_dimension_numbers<[1], [0], [0], [1], [0, 0, 1, 1], [], []>, transpose_lhs_hint = false} : vector<1x16xbf16>, vector<16x512xbf16>, vector<1x512xf32> -> vector<1x512xf32>
    %add3A_440 = arith.addf %dot_general3A_437, %dot_general3A_439 : vector<1x512xf32>
    %dot_general3A_441 = arith.constant dense<0.000000e+00> : vector<1x512xf32>
    %dot_general3A_442 = tpu.matmul %slice3A_425, %get3A_430, %dot_general3A_441 {dimension_numbers = #tpu.dot_dimension_numbers<[1], [0], [0], [1], [0, 0, 1, 1], [], []>, transpose_lhs_hint = false} : vector<1x16xbf16>, vector<16x512xbf16>, vector<1x512xf32> -> vector<1x512xf32>
    %add3A_443 = arith.addf %add3A_440, %dot_general3A_442 : vector<1x512xf32>
    %add3A_444 = arith.addf %add3A_360, %add3A_443 : vector<1x512xf32>
    %slice3A_445 = vector.extract_strided_slice %convert_element_type3A_26 {offsets = [20, 0], sizes = [1, 16], strides = [1, 1]} : vector<48x16xbf16> to vector<1x16xbf16>
    %slice3A_446 = vector.extract_strided_slice %convert_element_type3A_29 {offsets = [20, 0], sizes = [1, 16], strides = [1, 1]} : vector<48x16xbf16> to vector<1x16xbf16>
    %get3A_447 = arith.constant 20 : index
    %get3A_448 = arith.constant 0 : index
    %get3A_449 = arith.constant 0 : index
    %get3A_450 = vector.load %arg4[%get3A_447, %get3A_448, %get3A_449] : memref<48x16x512xbf16, #tpu.memory_space<vmem>>, vector<1x16x512xbf16>
    %get3A_451 = vector.shape_cast %get3A_450 : vector<1x16x512xbf16> to vector<16x512xbf16>
    %get3A_452 = arith.constant 20 : index
    %get3A_453 = arith.constant 0 : index
    %get3A_454 = arith.constant 0 : index
    %get3A_455 = vector.load %arg5[%get3A_452, %get3A_453, %get3A_454] : memref<48x16x512xbf16, #tpu.memory_space<vmem>>, vector<1x16x512xbf16>
    %get3A_456 = vector.shape_cast %get3A_455 : vector<1x16x512xbf16> to vector<16x512xbf16>
    %dot_general3A_457 = arith.constant dense<0.000000e+00> : vector<1x512xf32>
    %dot_general3A_458 = tpu.matmul %slice3A_445, %get3A_451, %dot_general3A_457 {dimension_numbers = #tpu.dot_dimension_numbers<[1], [0], [0], [1], [0, 0, 1, 1], [], []>, transpose_lhs_hint = false} : vector<1x16xbf16>, vector<16x512xbf16>, vector<1x512xf32> -> vector<1x512xf32>
    %dot_general3A_459 = arith.constant dense<0.000000e+00> : vector<1x512xf32>
    %dot_general3A_460 = tpu.matmul %slice3A_445, %get3A_456, %dot_general3A_459 {dimension_numbers = #tpu.dot_dimension_numbers<[1], [0], [0], [1], [0, 0, 1, 1], [], []>, transpose_lhs_hint = false} : vector<1x16xbf16>, vector<16x512xbf16>, vector<1x512xf32> -> vector<1x512xf32>
    %add3A_461 = arith.addf %dot_general3A_458, %dot_general3A_460 : vector<1x512xf32>
    %dot_general3A_462 = arith.constant dense<0.000000e+00> : vector<1x512xf32>
    %dot_general3A_463 = tpu.matmul %slice3A_446, %get3A_451, %dot_general3A_462 {dimension_numbers = #tpu.dot_dimension_numbers<[1], [0], [0], [1], [0, 0, 1, 1], [], []>, transpose_lhs_hint = false} : vector<1x16xbf16>, vector<16x512xbf16>, vector<1x512xf32> -> vector<1x512xf32>
    %add3A_464 = arith.addf %add3A_461, %dot_general3A_463 : vector<1x512xf32>
    %add3A_465 = arith.addf %add3A_381, %add3A_464 : vector<1x512xf32>
    %slice3A_466 = vector.extract_strided_slice %convert_element_type3A_26 {offsets = [21, 0], sizes = [1, 16], strides = [1, 1]} : vector<48x16xbf16> to vector<1x16xbf16>
    %slice3A_467 = vector.extract_strided_slice %convert_element_type3A_29 {offsets = [21, 0], sizes = [1, 16], strides = [1, 1]} : vector<48x16xbf16> to vector<1x16xbf16>
    %get3A_468 = arith.constant 21 : index
    %get3A_469 = arith.constant 0 : index
    %get3A_470 = arith.constant 0 : index
    %get3A_471 = vector.load %arg4[%get3A_468, %get3A_469, %get3A_470] : memref<48x16x512xbf16, #tpu.memory_space<vmem>>, vector<1x16x512xbf16>
    %get3A_472 = vector.shape_cast %get3A_471 : vector<1x16x512xbf16> to vector<16x512xbf16>
    %get3A_473 = arith.constant 21 : index
    %get3A_474 = arith.constant 0 : index
    %get3A_475 = arith.constant 0 : index
    %get3A_476 = vector.load %arg5[%get3A_473, %get3A_474, %get3A_475] : memref<48x16x512xbf16, #tpu.memory_space<vmem>>, vector<1x16x512xbf16>
    %get3A_477 = vector.shape_cast %get3A_476 : vector<1x16x512xbf16> to vector<16x512xbf16>
    %dot_general3A_478 = arith.constant dense<0.000000e+00> : vector<1x512xf32>
    %dot_general3A_479 = tpu.matmul %slice3A_466, %get3A_472, %dot_general3A_478 {dimension_numbers = #tpu.dot_dimension_numbers<[1], [0], [0], [1], [0, 0, 1, 1], [], []>, transpose_lhs_hint = false} : vector<1x16xbf16>, vector<16x512xbf16>, vector<1x512xf32> -> vector<1x512xf32>
    %dot_general3A_480 = arith.constant dense<0.000000e+00> : vector<1x512xf32>
    %dot_general3A_481 = tpu.matmul %slice3A_466, %get3A_477, %dot_general3A_480 {dimension_numbers = #tpu.dot_dimension_numbers<[1], [0], [0], [1], [0, 0, 1, 1], [], []>, transpose_lhs_hint = false} : vector<1x16xbf16>, vector<16x512xbf16>, vector<1x512xf32> -> vector<1x512xf32>
    %add3A_482 = arith.addf %dot_general3A_479, %dot_general3A_481 : vector<1x512xf32>
    %dot_general3A_483 = arith.constant dense<0.000000e+00> : vector<1x512xf32>
    %dot_general3A_484 = tpu.matmul %slice3A_467, %get3A_472, %dot_general3A_483 {dimension_numbers = #tpu.dot_dimension_numbers<[1], [0], [0], [1], [0, 0, 1, 1], [], []>, transpose_lhs_hint = false} : vector<1x16xbf16>, vector<16x512xbf16>, vector<1x512xf32> -> vector<1x512xf32>
    %add3A_485 = arith.addf %add3A_482, %dot_general3A_484 : vector<1x512xf32>
    %add3A_486 = arith.addf %add3A_402, %add3A_485 : vector<1x512xf32>
    %slice3A_487 = vector.extract_strided_slice %convert_element_type3A_26 {offsets = [22, 0], sizes = [1, 16], strides = [1, 1]} : vector<48x16xbf16> to vector<1x16xbf16>
    %slice3A_488 = vector.extract_strided_slice %convert_element_type3A_29 {offsets = [22, 0], sizes = [1, 16], strides = [1, 1]} : vector<48x16xbf16> to vector<1x16xbf16>
    %get3A_489 = arith.constant 22 : index
    %get3A_490 = arith.constant 0 : index
    %get3A_491 = arith.constant 0 : index
    %get3A_492 = vector.load %arg4[%get3A_489, %get3A_490, %get3A_491] : memref<48x16x512xbf16, #tpu.memory_space<vmem>>, vector<1x16x512xbf16>
    %get3A_493 = vector.shape_cast %get3A_492 : vector<1x16x512xbf16> to vector<16x512xbf16>
    %get3A_494 = arith.constant 22 : index
    %get3A_495 = arith.constant 0 : index
    %get3A_496 = arith.constant 0 : index
    %get3A_497 = vector.load %arg5[%get3A_494, %get3A_495, %get3A_496] : memref<48x16x512xbf16, #tpu.memory_space<vmem>>, vector<1x16x512xbf16>
    %get3A_498 = vector.shape_cast %get3A_497 : vector<1x16x512xbf16> to vector<16x512xbf16>
    %dot_general3A_499 = arith.constant dense<0.000000e+00> : vector<1x512xf32>
    %dot_general3A_500 = tpu.matmul %slice3A_487, %get3A_493, %dot_general3A_499 {dimension_numbers = #tpu.dot_dimension_numbers<[1], [0], [0], [1], [0, 0, 1, 1], [], []>, transpose_lhs_hint = false} : vector<1x16xbf16>, vector<16x512xbf16>, vector<1x512xf32> -> vector<1x512xf32>
    %dot_general3A_501 = arith.constant dense<0.000000e+00> : vector<1x512xf32>
    %dot_general3A_502 = tpu.matmul %slice3A_487, %get3A_498, %dot_general3A_501 {dimension_numbers = #tpu.dot_dimension_numbers<[1], [0], [0], [1], [0, 0, 1, 1], [], []>, transpose_lhs_hint = false} : vector<1x16xbf16>, vector<16x512xbf16>, vector<1x512xf32> -> vector<1x512xf32>
    %add3A_503 = arith.addf %dot_general3A_500, %dot_general3A_502 : vector<1x512xf32>
    %dot_general3A_504 = arith.constant dense<0.000000e+00> : vector<1x512xf32>
    %dot_general3A_505 = tpu.matmul %slice3A_488, %get3A_493, %dot_general3A_504 {dimension_numbers = #tpu.dot_dimension_numbers<[1], [0], [0], [1], [0, 0, 1, 1], [], []>, transpose_lhs_hint = false} : vector<1x16xbf16>, vector<16x512xbf16>, vector<1x512xf32> -> vector<1x512xf32>
    %add3A_506 = arith.addf %add3A_503, %dot_general3A_505 : vector<1x512xf32>
    %add3A_507 = arith.addf %add3A_423, %add3A_506 : vector<1x512xf32>
    %slice3A_508 = vector.extract_strided_slice %convert_element_type3A_26 {offsets = [23, 0], sizes = [1, 16], strides = [1, 1]} : vector<48x16xbf16> to vector<1x16xbf16>
    %slice3A_509 = vector.extract_strided_slice %convert_element_type3A_29 {offsets = [23, 0], sizes = [1, 16], strides = [1, 1]} : vector<48x16xbf16> to vector<1x16xbf16>
    %get3A_510 = arith.constant 23 : index
    %get3A_511 = arith.constant 0 : index
    %get3A_512 = arith.constant 0 : index
    %get3A_513 = vector.load %arg4[%get3A_510, %get3A_511, %get3A_512] : memref<48x16x512xbf16, #tpu.memory_space<vmem>>, vector<1x16x512xbf16>
    %get3A_514 = vector.shape_cast %get3A_513 : vector<1x16x512xbf16> to vector<16x512xbf16>
    %get3A_515 = arith.constant 23 : index
    %get3A_516 = arith.constant 0 : index
    %get3A_517 = arith.constant 0 : index
    %get3A_518 = vector.load %arg5[%get3A_515, %get3A_516, %get3A_517] : memref<48x16x512xbf16, #tpu.memory_space<vmem>>, vector<1x16x512xbf16>
    %get3A_519 = vector.shape_cast %get3A_518 : vector<1x16x512xbf16> to vector<16x512xbf16>
    %dot_general3A_520 = arith.constant dense<0.000000e+00> : vector<1x512xf32>
    %dot_general3A_521 = tpu.matmul %slice3A_508, %get3A_514, %dot_general3A_520 {dimension_numbers = #tpu.dot_dimension_numbers<[1], [0], [0], [1], [0, 0, 1, 1], [], []>, transpose_lhs_hint = false} : vector<1x16xbf16>, vector<16x512xbf16>, vector<1x512xf32> -> vector<1x512xf32>
    %dot_general3A_522 = arith.constant dense<0.000000e+00> : vector<1x512xf32>
    %dot_general3A_523 = tpu.matmul %slice3A_508, %get3A_519, %dot_general3A_522 {dimension_numbers = #tpu.dot_dimension_numbers<[1], [0], [0], [1], [0, 0, 1, 1], [], []>, transpose_lhs_hint = false} : vector<1x16xbf16>, vector<16x512xbf16>, vector<1x512xf32> -> vector<1x512xf32>
    %add3A_524 = arith.addf %dot_general3A_521, %dot_general3A_523 : vector<1x512xf32>
    %dot_general3A_525 = arith.constant dense<0.000000e+00> : vector<1x512xf32>
    %dot_general3A_526 = tpu.matmul %slice3A_509, %get3A_514, %dot_general3A_525 {dimension_numbers = #tpu.dot_dimension_numbers<[1], [0], [0], [1], [0, 0, 1, 1], [], []>, transpose_lhs_hint = false} : vector<1x16xbf16>, vector<16x512xbf16>, vector<1x512xf32> -> vector<1x512xf32>
    %add3A_527 = arith.addf %add3A_524, %dot_general3A_526 : vector<1x512xf32>
    %add3A_528 = arith.addf %add3A_444, %add3A_527 : vector<1x512xf32>
    %slice3A_529 = vector.extract_strided_slice %convert_element_type3A_26 {offsets = [24, 0], sizes = [1, 16], strides = [1, 1]} : vector<48x16xbf16> to vector<1x16xbf16>
    %slice3A_530 = vector.extract_strided_slice %convert_element_type3A_29 {offsets = [24, 0], sizes = [1, 16], strides = [1, 1]} : vector<48x16xbf16> to vector<1x16xbf16>
    %get3A_531 = arith.constant 24 : index
    %get3A_532 = arith.constant 0 : index
    %get3A_533 = arith.constant 0 : index
    %get3A_534 = vector.load %arg4[%get3A_531, %get3A_532, %get3A_533] : memref<48x16x512xbf16, #tpu.memory_space<vmem>>, vector<1x16x512xbf16>
    %get3A_535 = vector.shape_cast %get3A_534 : vector<1x16x512xbf16> to vector<16x512xbf16>
    %get3A_536 = arith.constant 24 : index
    %get3A_537 = arith.constant 0 : index
    %get3A_538 = arith.constant 0 : index
    %get3A_539 = vector.load %arg5[%get3A_536, %get3A_537, %get3A_538] : memref<48x16x512xbf16, #tpu.memory_space<vmem>>, vector<1x16x512xbf16>
    %get3A_540 = vector.shape_cast %get3A_539 : vector<1x16x512xbf16> to vector<16x512xbf16>
    %dot_general3A_541 = arith.constant dense<0.000000e+00> : vector<1x512xf32>
    %dot_general3A_542 = tpu.matmul %slice3A_529, %get3A_535, %dot_general3A_541 {dimension_numbers = #tpu.dot_dimension_numbers<[1], [0], [0], [1], [0, 0, 1, 1], [], []>, transpose_lhs_hint = false} : vector<1x16xbf16>, vector<16x512xbf16>, vector<1x512xf32> -> vector<1x512xf32>
    %dot_general3A_543 = arith.constant dense<0.000000e+00> : vector<1x512xf32>
    %dot_general3A_544 = tpu.matmul %slice3A_529, %get3A_540, %dot_general3A_543 {dimension_numbers = #tpu.dot_dimension_numbers<[1], [0], [0], [1], [0, 0, 1, 1], [], []>, transpose_lhs_hint = false} : vector<1x16xbf16>, vector<16x512xbf16>, vector<1x512xf32> -> vector<1x512xf32>
    %add3A_545 = arith.addf %dot_general3A_542, %dot_general3A_544 : vector<1x512xf32>
    %dot_general3A_546 = arith.constant dense<0.000000e+00> : vector<1x512xf32>
    %dot_general3A_547 = tpu.matmul %slice3A_530, %get3A_535, %dot_general3A_546 {dimension_numbers = #tpu.dot_dimension_numbers<[1], [0], [0], [1], [0, 0, 1, 1], [], []>, transpose_lhs_hint = false} : vector<1x16xbf16>, vector<16x512xbf16>, vector<1x512xf32> -> vector<1x512xf32>
    %add3A_548 = arith.addf %add3A_545, %dot_general3A_547 : vector<1x512xf32>
    %add3A_549 = arith.addf %add3A_465, %add3A_548 : vector<1x512xf32>
    %slice3A_550 = vector.extract_strided_slice %convert_element_type3A_26 {offsets = [25, 0], sizes = [1, 16], strides = [1, 1]} : vector<48x16xbf16> to vector<1x16xbf16>
    %slice3A_551 = vector.extract_strided_slice %convert_element_type3A_29 {offsets = [25, 0], sizes = [1, 16], strides = [1, 1]} : vector<48x16xbf16> to vector<1x16xbf16>
    %get3A_552 = arith.constant 25 : index
    %get3A_553 = arith.constant 0 : index
    %get3A_554 = arith.constant 0 : index
    %get3A_555 = vector.load %arg4[%get3A_552, %get3A_553, %get3A_554] : memref<48x16x512xbf16, #tpu.memory_space<vmem>>, vector<1x16x512xbf16>
    %get3A_556 = vector.shape_cast %get3A_555 : vector<1x16x512xbf16> to vector<16x512xbf16>
    %get3A_557 = arith.constant 25 : index
    %get3A_558 = arith.constant 0 : index
    %get3A_559 = arith.constant 0 : index
    %get3A_560 = vector.load %arg5[%get3A_557, %get3A_558, %get3A_559] : memref<48x16x512xbf16, #tpu.memory_space<vmem>>, vector<1x16x512xbf16>
    %get3A_561 = vector.shape_cast %get3A_560 : vector<1x16x512xbf16> to vector<16x512xbf16>
    %dot_general3A_562 = arith.constant dense<0.000000e+00> : vector<1x512xf32>
    %dot_general3A_563 = tpu.matmul %slice3A_550, %get3A_556, %dot_general3A_562 {dimension_numbers = #tpu.dot_dimension_numbers<[1], [0], [0], [1], [0, 0, 1, 1], [], []>, transpose_lhs_hint = false} : vector<1x16xbf16>, vector<16x512xbf16>, vector<1x512xf32> -> vector<1x512xf32>
    %dot_general3A_564 = arith.constant dense<0.000000e+00> : vector<1x512xf32>
    %dot_general3A_565 = tpu.matmul %slice3A_550, %get3A_561, %dot_general3A_564 {dimension_numbers = #tpu.dot_dimension_numbers<[1], [0], [0], [1], [0, 0, 1, 1], [], []>, transpose_lhs_hint = false} : vector<1x16xbf16>, vector<16x512xbf16>, vector<1x512xf32> -> vector<1x512xf32>
    %add3A_566 = arith.addf %dot_general3A_563, %dot_general3A_565 : vector<1x512xf32>
    %dot_general3A_567 = arith.constant dense<0.000000e+00> : vector<1x512xf32>
    %dot_general3A_568 = tpu.matmul %slice3A_551, %get3A_556, %dot_general3A_567 {dimension_numbers = #tpu.dot_dimension_numbers<[1], [0], [0], [1], [0, 0, 1, 1], [], []>, transpose_lhs_hint = false} : vector<1x16xbf16>, vector<16x512xbf16>, vector<1x512xf32> -> vector<1x512xf32>
    %add3A_569 = arith.addf %add3A_566, %dot_general3A_568 : vector<1x512xf32>
    %add3A_570 = arith.addf %add3A_486, %add3A_569 : vector<1x512xf32>
    %slice3A_571 = vector.extract_strided_slice %convert_element_type3A_26 {offsets = [26, 0], sizes = [1, 16], strides = [1, 1]} : vector<48x16xbf16> to vector<1x16xbf16>
    %slice3A_572 = vector.extract_strided_slice %convert_element_type3A_29 {offsets = [26, 0], sizes = [1, 16], strides = [1, 1]} : vector<48x16xbf16> to vector<1x16xbf16>
    %get3A_573 = arith.constant 26 : index
    %get3A_574 = arith.constant 0 : index
    %get3A_575 = arith.constant 0 : index
    %get3A_576 = vector.load %arg4[%get3A_573, %get3A_574, %get3A_575] : memref<48x16x512xbf16, #tpu.memory_space<vmem>>, vector<1x16x512xbf16>
    %get3A_577 = vector.shape_cast %get3A_576 : vector<1x16x512xbf16> to vector<16x512xbf16>
    %get3A_578 = arith.constant 26 : index
    %get3A_579 = arith.constant 0 : index
    %get3A_580 = arith.constant 0 : index
    %get3A_581 = vector.load %arg5[%get3A_578, %get3A_579, %get3A_580] : memref<48x16x512xbf16, #tpu.memory_space<vmem>>, vector<1x16x512xbf16>
    %get3A_582 = vector.shape_cast %get3A_581 : vector<1x16x512xbf16> to vector<16x512xbf16>
    %dot_general3A_583 = arith.constant dense<0.000000e+00> : vector<1x512xf32>
    %dot_general3A_584 = tpu.matmul %slice3A_571, %get3A_577, %dot_general3A_583 {dimension_numbers = #tpu.dot_dimension_numbers<[1], [0], [0], [1], [0, 0, 1, 1], [], []>, transpose_lhs_hint = false} : vector<1x16xbf16>, vector<16x512xbf16>, vector<1x512xf32> -> vector<1x512xf32>
    %dot_general3A_585 = arith.constant dense<0.000000e+00> : vector<1x512xf32>
    %dot_general3A_586 = tpu.matmul %slice3A_571, %get3A_582, %dot_general3A_585 {dimension_numbers = #tpu.dot_dimension_numbers<[1], [0], [0], [1], [0, 0, 1, 1], [], []>, transpose_lhs_hint = false} : vector<1x16xbf16>, vector<16x512xbf16>, vector<1x512xf32> -> vector<1x512xf32>
    %add3A_587 = arith.addf %dot_general3A_584, %dot_general3A_586 : vector<1x512xf32>
    %dot_general3A_588 = arith.constant dense<0.000000e+00> : vector<1x512xf32>
    %dot_general3A_589 = tpu.matmul %slice3A_572, %get3A_577, %dot_general3A_588 {dimension_numbers = #tpu.dot_dimension_numbers<[1], [0], [0], [1], [0, 0, 1, 1], [], []>, transpose_lhs_hint = false} : vector<1x16xbf16>, vector<16x512xbf16>, vector<1x512xf32> -> vector<1x512xf32>
    %add3A_590 = arith.addf %add3A_587, %dot_general3A_589 : vector<1x512xf32>
    %add3A_591 = arith.addf %add3A_507, %add3A_590 : vector<1x512xf32>
    %slice3A_592 = vector.extract_strided_slice %convert_element_type3A_26 {offsets = [27, 0], sizes = [1, 16], strides = [1, 1]} : vector<48x16xbf16> to vector<1x16xbf16>
    %slice3A_593 = vector.extract_strided_slice %convert_element_type3A_29 {offsets = [27, 0], sizes = [1, 16], strides = [1, 1]} : vector<48x16xbf16> to vector<1x16xbf16>
    %get3A_594 = arith.constant 27 : index
    %get3A_595 = arith.constant 0 : index
    %get3A_596 = arith.constant 0 : index
    %get3A_597 = vector.load %arg4[%get3A_594, %get3A_595, %get3A_596] : memref<48x16x512xbf16, #tpu.memory_space<vmem>>, vector<1x16x512xbf16>
    %get3A_598 = vector.shape_cast %get3A_597 : vector<1x16x512xbf16> to vector<16x512xbf16>
    %get3A_599 = arith.constant 27 : index
    %get3A_600 = arith.constant 0 : index
    %get3A_601 = arith.constant 0 : index
    %get3A_602 = vector.load %arg5[%get3A_599, %get3A_600, %get3A_601] : memref<48x16x512xbf16, #tpu.memory_space<vmem>>, vector<1x16x512xbf16>
    %get3A_603 = vector.shape_cast %get3A_602 : vector<1x16x512xbf16> to vector<16x512xbf16>
    %dot_general3A_604 = arith.constant dense<0.000000e+00> : vector<1x512xf32>
    %dot_general3A_605 = tpu.matmul %slice3A_592, %get3A_598, %dot_general3A_604 {dimension_numbers = #tpu.dot_dimension_numbers<[1], [0], [0], [1], [0, 0, 1, 1], [], []>, transpose_lhs_hint = false} : vector<1x16xbf16>, vector<16x512xbf16>, vector<1x512xf32> -> vector<1x512xf32>
    %dot_general3A_606 = arith.constant dense<0.000000e+00> : vector<1x512xf32>
    %dot_general3A_607 = tpu.matmul %slice3A_592, %get3A_603, %dot_general3A_606 {dimension_numbers = #tpu.dot_dimension_numbers<[1], [0], [0], [1], [0, 0, 1, 1], [], []>, transpose_lhs_hint = false} : vector<1x16xbf16>, vector<16x512xbf16>, vector<1x512xf32> -> vector<1x512xf32>
    %add3A_608 = arith.addf %dot_general3A_605, %dot_general3A_607 : vector<1x512xf32>
    %dot_general3A_609 = arith.constant dense<0.000000e+00> : vector<1x512xf32>
    %dot_general3A_610 = tpu.matmul %slice3A_593, %get3A_598, %dot_general3A_609 {dimension_numbers = #tpu.dot_dimension_numbers<[1], [0], [0], [1], [0, 0, 1, 1], [], []>, transpose_lhs_hint = false} : vector<1x16xbf16>, vector<16x512xbf16>, vector<1x512xf32> -> vector<1x512xf32>
    %add3A_611 = arith.addf %add3A_608, %dot_general3A_610 : vector<1x512xf32>
    %add3A_612 = arith.addf %add3A_528, %add3A_611 : vector<1x512xf32>
    %slice3A_613 = vector.extract_strided_slice %convert_element_type3A_26 {offsets = [28, 0], sizes = [1, 16], strides = [1, 1]} : vector<48x16xbf16> to vector<1x16xbf16>
    %slice3A_614 = vector.extract_strided_slice %convert_element_type3A_29 {offsets = [28, 0], sizes = [1, 16], strides = [1, 1]} : vector<48x16xbf16> to vector<1x16xbf16>
    %get3A_615 = arith.constant 28 : index
    %get3A_616 = arith.constant 0 : index
    %get3A_617 = arith.constant 0 : index
    %get3A_618 = vector.load %arg4[%get3A_615, %get3A_616, %get3A_617] : memref<48x16x512xbf16, #tpu.memory_space<vmem>>, vector<1x16x512xbf16>
    %get3A_619 = vector.shape_cast %get3A_618 : vector<1x16x512xbf16> to vector<16x512xbf16>
    %get3A_620 = arith.constant 28 : index
    %get3A_621 = arith.constant 0 : index
    %get3A_622 = arith.constant 0 : index
    %get3A_623 = vector.load %arg5[%get3A_620, %get3A_621, %get3A_622] : memref<48x16x512xbf16, #tpu.memory_space<vmem>>, vector<1x16x512xbf16>
    %get3A_624 = vector.shape_cast %get3A_623 : vector<1x16x512xbf16> to vector<16x512xbf16>
    %dot_general3A_625 = arith.constant dense<0.000000e+00> : vector<1x512xf32>
    %dot_general3A_626 = tpu.matmul %slice3A_613, %get3A_619, %dot_general3A_625 {dimension_numbers = #tpu.dot_dimension_numbers<[1], [0], [0], [1], [0, 0, 1, 1], [], []>, transpose_lhs_hint = false} : vector<1x16xbf16>, vector<16x512xbf16>, vector<1x512xf32> -> vector<1x512xf32>
    %dot_general3A_627 = arith.constant dense<0.000000e+00> : vector<1x512xf32>
    %dot_general3A_628 = tpu.matmul %slice3A_613, %get3A_624, %dot_general3A_627 {dimension_numbers = #tpu.dot_dimension_numbers<[1], [0], [0], [1], [0, 0, 1, 1], [], []>, transpose_lhs_hint = false} : vector<1x16xbf16>, vector<16x512xbf16>, vector<1x512xf32> -> vector<1x512xf32>
    %add3A_629 = arith.addf %dot_general3A_626, %dot_general3A_628 : vector<1x512xf32>
    %dot_general3A_630 = arith.constant dense<0.000000e+00> : vector<1x512xf32>
    %dot_general3A_631 = tpu.matmul %slice3A_614, %get3A_619, %dot_general3A_630 {dimension_numbers = #tpu.dot_dimension_numbers<[1], [0], [0], [1], [0, 0, 1, 1], [], []>, transpose_lhs_hint = false} : vector<1x16xbf16>, vector<16x512xbf16>, vector<1x512xf32> -> vector<1x512xf32>
    %add3A_632 = arith.addf %add3A_629, %dot_general3A_631 : vector<1x512xf32>
    %add3A_633 = arith.addf %add3A_549, %add3A_632 : vector<1x512xf32>
    %slice3A_634 = vector.extract_strided_slice %convert_element_type3A_26 {offsets = [29, 0], sizes = [1, 16], strides = [1, 1]} : vector<48x16xbf16> to vector<1x16xbf16>
    %slice3A_635 = vector.extract_strided_slice %convert_element_type3A_29 {offsets = [29, 0], sizes = [1, 16], strides = [1, 1]} : vector<48x16xbf16> to vector<1x16xbf16>
    %get3A_636 = arith.constant 29 : index
    %get3A_637 = arith.constant 0 : index
    %get3A_638 = arith.constant 0 : index
    %get3A_639 = vector.load %arg4[%get3A_636, %get3A_637, %get3A_638] : memref<48x16x512xbf16, #tpu.memory_space<vmem>>, vector<1x16x512xbf16>
    %get3A_640 = vector.shape_cast %get3A_639 : vector<1x16x512xbf16> to vector<16x512xbf16>
    %get3A_641 = arith.constant 29 : index
    %get3A_642 = arith.constant 0 : index
    %get3A_643 = arith.constant 0 : index
    %get3A_644 = vector.load %arg5[%get3A_641, %get3A_642, %get3A_643] : memref<48x16x512xbf16, #tpu.memory_space<vmem>>, vector<1x16x512xbf16>
    %get3A_645 = vector.shape_cast %get3A_644 : vector<1x16x512xbf16> to vector<16x512xbf16>
    %dot_general3A_646 = arith.constant dense<0.000000e+00> : vector<1x512xf32>
    %dot_general3A_647 = tpu.matmul %slice3A_634, %get3A_640, %dot_general3A_646 {dimension_numbers = #tpu.dot_dimension_numbers<[1], [0], [0], [1], [0, 0, 1, 1], [], []>, transpose_lhs_hint = false} : vector<1x16xbf16>, vector<16x512xbf16>, vector<1x512xf32> -> vector<1x512xf32>
    %dot_general3A_648 = arith.constant dense<0.000000e+00> : vector<1x512xf32>
    %dot_general3A_649 = tpu.matmul %slice3A_634, %get3A_645, %dot_general3A_648 {dimension_numbers = #tpu.dot_dimension_numbers<[1], [0], [0], [1], [0, 0, 1, 1], [], []>, transpose_lhs_hint = false} : vector<1x16xbf16>, vector<16x512xbf16>, vector<1x512xf32> -> vector<1x512xf32>
    %add3A_650 = arith.addf %dot_general3A_647, %dot_general3A_649 : vector<1x512xf32>
    %dot_general3A_651 = arith.constant dense<0.000000e+00> : vector<1x512xf32>
    %dot_general3A_652 = tpu.matmul %slice3A_635, %get3A_640, %dot_general3A_651 {dimension_numbers = #tpu.dot_dimension_numbers<[1], [0], [0], [1], [0, 0, 1, 1], [], []>, transpose_lhs_hint = false} : vector<1x16xbf16>, vector<16x512xbf16>, vector<1x512xf32> -> vector<1x512xf32>
    %add3A_653 = arith.addf %add3A_650, %dot_general3A_652 : vector<1x512xf32>
    %add3A_654 = arith.addf %add3A_570, %add3A_653 : vector<1x512xf32>
    %slice3A_655 = vector.extract_strided_slice %convert_element_type3A_26 {offsets = [30, 0], sizes = [1, 16], strides = [1, 1]} : vector<48x16xbf16> to vector<1x16xbf16>
    %slice3A_656 = vector.extract_strided_slice %convert_element_type3A_29 {offsets = [30, 0], sizes = [1, 16], strides = [1, 1]} : vector<48x16xbf16> to vector<1x16xbf16>
    %get3A_657 = arith.constant 30 : index
    %get3A_658 = arith.constant 0 : index
    %get3A_659 = arith.constant 0 : index
    %get3A_660 = vector.load %arg4[%get3A_657, %get3A_658, %get3A_659] : memref<48x16x512xbf16, #tpu.memory_space<vmem>>, vector<1x16x512xbf16>
    %get3A_661 = vector.shape_cast %get3A_660 : vector<1x16x512xbf16> to vector<16x512xbf16>
    %get3A_662 = arith.constant 30 : index
    %get3A_663 = arith.constant 0 : index
    %get3A_664 = arith.constant 0 : index
    %get3A_665 = vector.load %arg5[%get3A_662, %get3A_663, %get3A_664] : memref<48x16x512xbf16, #tpu.memory_space<vmem>>, vector<1x16x512xbf16>
    %get3A_666 = vector.shape_cast %get3A_665 : vector<1x16x512xbf16> to vector<16x512xbf16>
    %dot_general3A_667 = arith.constant dense<0.000000e+00> : vector<1x512xf32>
    %dot_general3A_668 = tpu.matmul %slice3A_655, %get3A_661, %dot_general3A_667 {dimension_numbers = #tpu.dot_dimension_numbers<[1], [0], [0], [1], [0, 0, 1, 1], [], []>, transpose_lhs_hint = false} : vector<1x16xbf16>, vector<16x512xbf16>, vector<1x512xf32> -> vector<1x512xf32>
    %dot_general3A_669 = arith.constant dense<0.000000e+00> : vector<1x512xf32>
    %dot_general3A_670 = tpu.matmul %slice3A_655, %get3A_666, %dot_general3A_669 {dimension_numbers = #tpu.dot_dimension_numbers<[1], [0], [0], [1], [0, 0, 1, 1], [], []>, transpose_lhs_hint = false} : vector<1x16xbf16>, vector<16x512xbf16>, vector<1x512xf32> -> vector<1x512xf32>
    %add3A_671 = arith.addf %dot_general3A_668, %dot_general3A_670 : vector<1x512xf32>
    %dot_general3A_672 = arith.constant dense<0.000000e+00> : vector<1x512xf32>
    %dot_general3A_673 = tpu.matmul %slice3A_656, %get3A_661, %dot_general3A_672 {dimension_numbers = #tpu.dot_dimension_numbers<[1], [0], [0], [1], [0, 0, 1, 1], [], []>, transpose_lhs_hint = false} : vector<1x16xbf16>, vector<16x512xbf16>, vector<1x512xf32> -> vector<1x512xf32>
    %add3A_674 = arith.addf %add3A_671, %dot_general3A_673 : vector<1x512xf32>
    %add3A_675 = arith.addf %add3A_591, %add3A_674 : vector<1x512xf32>
    %slice3A_676 = vector.extract_strided_slice %convert_element_type3A_26 {offsets = [31, 0], sizes = [1, 16], strides = [1, 1]} : vector<48x16xbf16> to vector<1x16xbf16>
    %slice3A_677 = vector.extract_strided_slice %convert_element_type3A_29 {offsets = [31, 0], sizes = [1, 16], strides = [1, 1]} : vector<48x16xbf16> to vector<1x16xbf16>
    %get3A_678 = arith.constant 31 : index
    %get3A_679 = arith.constant 0 : index
    %get3A_680 = arith.constant 0 : index
    %get3A_681 = vector.load %arg4[%get3A_678, %get3A_679, %get3A_680] : memref<48x16x512xbf16, #tpu.memory_space<vmem>>, vector<1x16x512xbf16>
    %get3A_682 = vector.shape_cast %get3A_681 : vector<1x16x512xbf16> to vector<16x512xbf16>
    %get3A_683 = arith.constant 31 : index
    %get3A_684 = arith.constant 0 : index
    %get3A_685 = arith.constant 0 : index
    %get3A_686 = vector.load %arg5[%get3A_683, %get3A_684, %get3A_685] : memref<48x16x512xbf16, #tpu.memory_space<vmem>>, vector<1x16x512xbf16>
    %get3A_687 = vector.shape_cast %get3A_686 : vector<1x16x512xbf16> to vector<16x512xbf16>
    %dot_general3A_688 = arith.constant dense<0.000000e+00> : vector<1x512xf32>
    %dot_general3A_689 = tpu.matmul %slice3A_676, %get3A_682, %dot_general3A_688 {dimension_numbers = #tpu.dot_dimension_numbers<[1], [0], [0], [1], [0, 0, 1, 1], [], []>, transpose_lhs_hint = false} : vector<1x16xbf16>, vector<16x512xbf16>, vector<1x512xf32> -> vector<1x512xf32>
    %dot_general3A_690 = arith.constant dense<0.000000e+00> : vector<1x512xf32>
    %dot_general3A_691 = tpu.matmul %slice3A_676, %get3A_687, %dot_general3A_690 {dimension_numbers = #tpu.dot_dimension_numbers<[1], [0], [0], [1], [0, 0, 1, 1], [], []>, transpose_lhs_hint = false} : vector<1x16xbf16>, vector<16x512xbf16>, vector<1x512xf32> -> vector<1x512xf32>
    %add3A_692 = arith.addf %dot_general3A_689, %dot_general3A_691 : vector<1x512xf32>
    %dot_general3A_693 = arith.constant dense<0.000000e+00> : vector<1x512xf32>
    %dot_general3A_694 = tpu.matmul %slice3A_677, %get3A_682, %dot_general3A_693 {dimension_numbers = #tpu.dot_dimension_numbers<[1], [0], [0], [1], [0, 0, 1, 1], [], []>, transpose_lhs_hint = false} : vector<1x16xbf16>, vector<16x512xbf16>, vector<1x512xf32> -> vector<1x512xf32>
    %add3A_695 = arith.addf %add3A_692, %dot_general3A_694 : vector<1x512xf32>
    %add3A_696 = arith.addf %add3A_612, %add3A_695 : vector<1x512xf32>
    %slice3A_697 = vector.extract_strided_slice %convert_element_type3A_26 {offsets = [32, 0], sizes = [1, 16], strides = [1, 1]} : vector<48x16xbf16> to vector<1x16xbf16>
    %slice3A_698 = vector.extract_strided_slice %convert_element_type3A_29 {offsets = [32, 0], sizes = [1, 16], strides = [1, 1]} : vector<48x16xbf16> to vector<1x16xbf16>
    %get3A_699 = arith.constant 32 : index
    %get3A_700 = arith.constant 0 : index
    %get3A_701 = arith.constant 0 : index
    %get3A_702 = vector.load %arg4[%get3A_699, %get3A_700, %get3A_701] : memref<48x16x512xbf16, #tpu.memory_space<vmem>>, vector<1x16x512xbf16>
    %get3A_703 = vector.shape_cast %get3A_702 : vector<1x16x512xbf16> to vector<16x512xbf16>
    %get3A_704 = arith.constant 32 : index
    %get3A_705 = arith.constant 0 : index
    %get3A_706 = arith.constant 0 : index
    %get3A_707 = vector.load %arg5[%get3A_704, %get3A_705, %get3A_706] : memref<48x16x512xbf16, #tpu.memory_space<vmem>>, vector<1x16x512xbf16>
    %get3A_708 = vector.shape_cast %get3A_707 : vector<1x16x512xbf16> to vector<16x512xbf16>
    %dot_general3A_709 = arith.constant dense<0.000000e+00> : vector<1x512xf32>
    %dot_general3A_710 = tpu.matmul %slice3A_697, %get3A_703, %dot_general3A_709 {dimension_numbers = #tpu.dot_dimension_numbers<[1], [0], [0], [1], [0, 0, 1, 1], [], []>, transpose_lhs_hint = false} : vector<1x16xbf16>, vector<16x512xbf16>, vector<1x512xf32> -> vector<1x512xf32>
    %dot_general3A_711 = arith.constant dense<0.000000e+00> : vector<1x512xf32>
    %dot_general3A_712 = tpu.matmul %slice3A_697, %get3A_708, %dot_general3A_711 {dimension_numbers = #tpu.dot_dimension_numbers<[1], [0], [0], [1], [0, 0, 1, 1], [], []>, transpose_lhs_hint = false} : vector<1x16xbf16>, vector<16x512xbf16>, vector<1x512xf32> -> vector<1x512xf32>
    %add3A_713 = arith.addf %dot_general3A_710, %dot_general3A_712 : vector<1x512xf32>
    %dot_general3A_714 = arith.constant dense<0.000000e+00> : vector<1x512xf32>
    %dot_general3A_715 = tpu.matmul %slice3A_698, %get3A_703, %dot_general3A_714 {dimension_numbers = #tpu.dot_dimension_numbers<[1], [0], [0], [1], [0, 0, 1, 1], [], []>, transpose_lhs_hint = false} : vector<1x16xbf16>, vector<16x512xbf16>, vector<1x512xf32> -> vector<1x512xf32>
    %add3A_716 = arith.addf %add3A_713, %dot_general3A_715 : vector<1x512xf32>
    %add3A_717 = arith.addf %add3A_633, %add3A_716 : vector<1x512xf32>
    %slice3A_718 = vector.extract_strided_slice %convert_element_type3A_26 {offsets = [33, 0], sizes = [1, 16], strides = [1, 1]} : vector<48x16xbf16> to vector<1x16xbf16>
    %slice3A_719 = vector.extract_strided_slice %convert_element_type3A_29 {offsets = [33, 0], sizes = [1, 16], strides = [1, 1]} : vector<48x16xbf16> to vector<1x16xbf16>
    %get3A_720 = arith.constant 33 : index
    %get3A_721 = arith.constant 0 : index
    %get3A_722 = arith.constant 0 : index
    %get3A_723 = vector.load %arg4[%get3A_720, %get3A_721, %get3A_722] : memref<48x16x512xbf16, #tpu.memory_space<vmem>>, vector<1x16x512xbf16>
    %get3A_724 = vector.shape_cast %get3A_723 : vector<1x16x512xbf16> to vector<16x512xbf16>
    %get3A_725 = arith.constant 33 : index
    %get3A_726 = arith.constant 0 : index
    %get3A_727 = arith.constant 0 : index
    %get3A_728 = vector.load %arg5[%get3A_725, %get3A_726, %get3A_727] : memref<48x16x512xbf16, #tpu.memory_space<vmem>>, vector<1x16x512xbf16>
    %get3A_729 = vector.shape_cast %get3A_728 : vector<1x16x512xbf16> to vector<16x512xbf16>
    %dot_general3A_730 = arith.constant dense<0.000000e+00> : vector<1x512xf32>
    %dot_general3A_731 = tpu.matmul %slice3A_718, %get3A_724, %dot_general3A_730 {dimension_numbers = #tpu.dot_dimension_numbers<[1], [0], [0], [1], [0, 0, 1, 1], [], []>, transpose_lhs_hint = false} : vector<1x16xbf16>, vector<16x512xbf16>, vector<1x512xf32> -> vector<1x512xf32>
    %dot_general3A_732 = arith.constant dense<0.000000e+00> : vector<1x512xf32>
    %dot_general3A_733 = tpu.matmul %slice3A_718, %get3A_729, %dot_general3A_732 {dimension_numbers = #tpu.dot_dimension_numbers<[1], [0], [0], [1], [0, 0, 1, 1], [], []>, transpose_lhs_hint = false} : vector<1x16xbf16>, vector<16x512xbf16>, vector<1x512xf32> -> vector<1x512xf32>
    %add3A_734 = arith.addf %dot_general3A_731, %dot_general3A_733 : vector<1x512xf32>
    %dot_general3A_735 = arith.constant dense<0.000000e+00> : vector<1x512xf32>
    %dot_general3A_736 = tpu.matmul %slice3A_719, %get3A_724, %dot_general3A_735 {dimension_numbers = #tpu.dot_dimension_numbers<[1], [0], [0], [1], [0, 0, 1, 1], [], []>, transpose_lhs_hint = false} : vector<1x16xbf16>, vector<16x512xbf16>, vector<1x512xf32> -> vector<1x512xf32>
    %add3A_737 = arith.addf %add3A_734, %dot_general3A_736 : vector<1x512xf32>
    %add3A_738 = arith.addf %add3A_654, %add3A_737 : vector<1x512xf32>
    %slice3A_739 = vector.extract_strided_slice %convert_element_type3A_26 {offsets = [34, 0], sizes = [1, 16], strides = [1, 1]} : vector<48x16xbf16> to vector<1x16xbf16>
    %slice3A_740 = vector.extract_strided_slice %convert_element_type3A_29 {offsets = [34, 0], sizes = [1, 16], strides = [1, 1]} : vector<48x16xbf16> to vector<1x16xbf16>
    %get3A_741 = arith.constant 34 : index
    %get3A_742 = arith.constant 0 : index
    %get3A_743 = arith.constant 0 : index
    %get3A_744 = vector.load %arg4[%get3A_741, %get3A_742, %get3A_743] : memref<48x16x512xbf16, #tpu.memory_space<vmem>>, vector<1x16x512xbf16>
    %get3A_745 = vector.shape_cast %get3A_744 : vector<1x16x512xbf16> to vector<16x512xbf16>
    %get3A_746 = arith.constant 34 : index
    %get3A_747 = arith.constant 0 : index
    %get3A_748 = arith.constant 0 : index
    %get3A_749 = vector.load %arg5[%get3A_746, %get3A_747, %get3A_748] : memref<48x16x512xbf16, #tpu.memory_space<vmem>>, vector<1x16x512xbf16>
    %get3A_750 = vector.shape_cast %get3A_749 : vector<1x16x512xbf16> to vector<16x512xbf16>
    %dot_general3A_751 = arith.constant dense<0.000000e+00> : vector<1x512xf32>
    %dot_general3A_752 = tpu.matmul %slice3A_739, %get3A_745, %dot_general3A_751 {dimension_numbers = #tpu.dot_dimension_numbers<[1], [0], [0], [1], [0, 0, 1, 1], [], []>, transpose_lhs_hint = false} : vector<1x16xbf16>, vector<16x512xbf16>, vector<1x512xf32> -> vector<1x512xf32>
    %dot_general3A_753 = arith.constant dense<0.000000e+00> : vector<1x512xf32>
    %dot_general3A_754 = tpu.matmul %slice3A_739, %get3A_750, %dot_general3A_753 {dimension_numbers = #tpu.dot_dimension_numbers<[1], [0], [0], [1], [0, 0, 1, 1], [], []>, transpose_lhs_hint = false} : vector<1x16xbf16>, vector<16x512xbf16>, vector<1x512xf32> -> vector<1x512xf32>
    %add3A_755 = arith.addf %dot_general3A_752, %dot_general3A_754 : vector<1x512xf32>
    %dot_general3A_756 = arith.constant dense<0.000000e+00> : vector<1x512xf32>
    %dot_general3A_757 = tpu.matmul %slice3A_740, %get3A_745, %dot_general3A_756 {dimension_numbers = #tpu.dot_dimension_numbers<[1], [0], [0], [1], [0, 0, 1, 1], [], []>, transpose_lhs_hint = false} : vector<1x16xbf16>, vector<16x512xbf16>, vector<1x512xf32> -> vector<1x512xf32>
    %add3A_758 = arith.addf %add3A_755, %dot_general3A_757 : vector<1x512xf32>
    %add3A_759 = arith.addf %add3A_675, %add3A_758 : vector<1x512xf32>
    %slice3A_760 = vector.extract_strided_slice %convert_element_type3A_26 {offsets = [35, 0], sizes = [1, 16], strides = [1, 1]} : vector<48x16xbf16> to vector<1x16xbf16>
    %slice3A_761 = vector.extract_strided_slice %convert_element_type3A_29 {offsets = [35, 0], sizes = [1, 16], strides = [1, 1]} : vector<48x16xbf16> to vector<1x16xbf16>
    %get3A_762 = arith.constant 35 : index
    %get3A_763 = arith.constant 0 : index
    %get3A_764 = arith.constant 0 : index
    %get3A_765 = vector.load %arg4[%get3A_762, %get3A_763, %get3A_764] : memref<48x16x512xbf16, #tpu.memory_space<vmem>>, vector<1x16x512xbf16>
    %get3A_766 = vector.shape_cast %get3A_765 : vector<1x16x512xbf16> to vector<16x512xbf16>
    %get3A_767 = arith.constant 35 : index
    %get3A_768 = arith.constant 0 : index
    %get3A_769 = arith.constant 0 : index
    %get3A_770 = vector.load %arg5[%get3A_767, %get3A_768, %get3A_769] : memref<48x16x512xbf16, #tpu.memory_space<vmem>>, vector<1x16x512xbf16>
    %get3A_771 = vector.shape_cast %get3A_770 : vector<1x16x512xbf16> to vector<16x512xbf16>
    %dot_general3A_772 = arith.constant dense<0.000000e+00> : vector<1x512xf32>
    %dot_general3A_773 = tpu.matmul %slice3A_760, %get3A_766, %dot_general3A_772 {dimension_numbers = #tpu.dot_dimension_numbers<[1], [0], [0], [1], [0, 0, 1, 1], [], []>, transpose_lhs_hint = false} : vector<1x16xbf16>, vector<16x512xbf16>, vector<1x512xf32> -> vector<1x512xf32>
    %dot_general3A_774 = arith.constant dense<0.000000e+00> : vector<1x512xf32>
    %dot_general3A_775 = tpu.matmul %slice3A_760, %get3A_771, %dot_general3A_774 {dimension_numbers = #tpu.dot_dimension_numbers<[1], [0], [0], [1], [0, 0, 1, 1], [], []>, transpose_lhs_hint = false} : vector<1x16xbf16>, vector<16x512xbf16>, vector<1x512xf32> -> vector<1x512xf32>
    %add3A_776 = arith.addf %dot_general3A_773, %dot_general3A_775 : vector<1x512xf32>
    %dot_general3A_777 = arith.constant dense<0.000000e+00> : vector<1x512xf32>
    %dot_general3A_778 = tpu.matmul %slice3A_761, %get3A_766, %dot_general3A_777 {dimension_numbers = #tpu.dot_dimension_numbers<[1], [0], [0], [1], [0, 0, 1, 1], [], []>, transpose_lhs_hint = false} : vector<1x16xbf16>, vector<16x512xbf16>, vector<1x512xf32> -> vector<1x512xf32>
    %add3A_779 = arith.addf %add3A_776, %dot_general3A_778 : vector<1x512xf32>
    %add3A_780 = arith.addf %add3A_696, %add3A_779 : vector<1x512xf32>
    %slice3A_781 = vector.extract_strided_slice %convert_element_type3A_26 {offsets = [36, 0], sizes = [1, 16], strides = [1, 1]} : vector<48x16xbf16> to vector<1x16xbf16>
    %slice3A_782 = vector.extract_strided_slice %convert_element_type3A_29 {offsets = [36, 0], sizes = [1, 16], strides = [1, 1]} : vector<48x16xbf16> to vector<1x16xbf16>
    %get3A_783 = arith.constant 36 : index
    %get3A_784 = arith.constant 0 : index
    %get3A_785 = arith.constant 0 : index
    %get3A_786 = vector.load %arg4[%get3A_783, %get3A_784, %get3A_785] : memref<48x16x512xbf16, #tpu.memory_space<vmem>>, vector<1x16x512xbf16>
    %get3A_787 = vector.shape_cast %get3A_786 : vector<1x16x512xbf16> to vector<16x512xbf16>
    %get3A_788 = arith.constant 36 : index
    %get3A_789 = arith.constant 0 : index
    %get3A_790 = arith.constant 0 : index
    %get3A_791 = vector.load %arg5[%get3A_788, %get3A_789, %get3A_790] : memref<48x16x512xbf16, #tpu.memory_space<vmem>>, vector<1x16x512xbf16>
    %get3A_792 = vector.shape_cast %get3A_791 : vector<1x16x512xbf16> to vector<16x512xbf16>
    %dot_general3A_793 = arith.constant dense<0.000000e+00> : vector<1x512xf32>
    %dot_general3A_794 = tpu.matmul %slice3A_781, %get3A_787, %dot_general3A_793 {dimension_numbers = #tpu.dot_dimension_numbers<[1], [0], [0], [1], [0, 0, 1, 1], [], []>, transpose_lhs_hint = false} : vector<1x16xbf16>, vector<16x512xbf16>, vector<1x512xf32> -> vector<1x512xf32>
    %dot_general3A_795 = arith.constant dense<0.000000e+00> : vector<1x512xf32>
    %dot_general3A_796 = tpu.matmul %slice3A_781, %get3A_792, %dot_general3A_795 {dimension_numbers = #tpu.dot_dimension_numbers<[1], [0], [0], [1], [0, 0, 1, 1], [], []>, transpose_lhs_hint = false} : vector<1x16xbf16>, vector<16x512xbf16>, vector<1x512xf32> -> vector<1x512xf32>
    %add3A_797 = arith.addf %dot_general3A_794, %dot_general3A_796 : vector<1x512xf32>
    %dot_general3A_798 = arith.constant dense<0.000000e+00> : vector<1x512xf32>
    %dot_general3A_799 = tpu.matmul %slice3A_782, %get3A_787, %dot_general3A_798 {dimension_numbers = #tpu.dot_dimension_numbers<[1], [0], [0], [1], [0, 0, 1, 1], [], []>, transpose_lhs_hint = false} : vector<1x16xbf16>, vector<16x512xbf16>, vector<1x512xf32> -> vector<1x512xf32>
    %add3A_800 = arith.addf %add3A_797, %dot_general3A_799 : vector<1x512xf32>
    %add3A_801 = arith.addf %add3A_717, %add3A_800 : vector<1x512xf32>
    %slice3A_802 = vector.extract_strided_slice %convert_element_type3A_26 {offsets = [37, 0], sizes = [1, 16], strides = [1, 1]} : vector<48x16xbf16> to vector<1x16xbf16>
    %slice3A_803 = vector.extract_strided_slice %convert_element_type3A_29 {offsets = [37, 0], sizes = [1, 16], strides = [1, 1]} : vector<48x16xbf16> to vector<1x16xbf16>
    %get3A_804 = arith.constant 37 : index
    %get3A_805 = arith.constant 0 : index
    %get3A_806 = arith.constant 0 : index
    %get3A_807 = vector.load %arg4[%get3A_804, %get3A_805, %get3A_806] : memref<48x16x512xbf16, #tpu.memory_space<vmem>>, vector<1x16x512xbf16>
    %get3A_808 = vector.shape_cast %get3A_807 : vector<1x16x512xbf16> to vector<16x512xbf16>
    %get3A_809 = arith.constant 37 : index
    %get3A_810 = arith.constant 0 : index
    %get3A_811 = arith.constant 0 : index
    %get3A_812 = vector.load %arg5[%get3A_809, %get3A_810, %get3A_811] : memref<48x16x512xbf16, #tpu.memory_space<vmem>>, vector<1x16x512xbf16>
    %get3A_813 = vector.shape_cast %get3A_812 : vector<1x16x512xbf16> to vector<16x512xbf16>
    %dot_general3A_814 = arith.constant dense<0.000000e+00> : vector<1x512xf32>
    %dot_general3A_815 = tpu.matmul %slice3A_802, %get3A_808, %dot_general3A_814 {dimension_numbers = #tpu.dot_dimension_numbers<[1], [0], [0], [1], [0, 0, 1, 1], [], []>, transpose_lhs_hint = false} : vector<1x16xbf16>, vector<16x512xbf16>, vector<1x512xf32> -> vector<1x512xf32>
    %dot_general3A_816 = arith.constant dense<0.000000e+00> : vector<1x512xf32>
    %dot_general3A_817 = tpu.matmul %slice3A_802, %get3A_813, %dot_general3A_816 {dimension_numbers = #tpu.dot_dimension_numbers<[1], [0], [0], [1], [0, 0, 1, 1], [], []>, transpose_lhs_hint = false} : vector<1x16xbf16>, vector<16x512xbf16>, vector<1x512xf32> -> vector<1x512xf32>
    %add3A_818 = arith.addf %dot_general3A_815, %dot_general3A_817 : vector<1x512xf32>
    %dot_general3A_819 = arith.constant dense<0.000000e+00> : vector<1x512xf32>
    %dot_general3A_820 = tpu.matmul %slice3A_803, %get3A_808, %dot_general3A_819 {dimension_numbers = #tpu.dot_dimension_numbers<[1], [0], [0], [1], [0, 0, 1, 1], [], []>, transpose_lhs_hint = false} : vector<1x16xbf16>, vector<16x512xbf16>, vector<1x512xf32> -> vector<1x512xf32>
    %add3A_821 = arith.addf %add3A_818, %dot_general3A_820 : vector<1x512xf32>
    %add3A_822 = arith.addf %add3A_738, %add3A_821 : vector<1x512xf32>
    %slice3A_823 = vector.extract_strided_slice %convert_element_type3A_26 {offsets = [38, 0], sizes = [1, 16], strides = [1, 1]} : vector<48x16xbf16> to vector<1x16xbf16>
    %slice3A_824 = vector.extract_strided_slice %convert_element_type3A_29 {offsets = [38, 0], sizes = [1, 16], strides = [1, 1]} : vector<48x16xbf16> to vector<1x16xbf16>
    %get3A_825 = arith.constant 38 : index
    %get3A_826 = arith.constant 0 : index
    %get3A_827 = arith.constant 0 : index
    %get3A_828 = vector.load %arg4[%get3A_825, %get3A_826, %get3A_827] : memref<48x16x512xbf16, #tpu.memory_space<vmem>>, vector<1x16x512xbf16>
    %get3A_829 = vector.shape_cast %get3A_828 : vector<1x16x512xbf16> to vector<16x512xbf16>
    %get3A_830 = arith.constant 38 : index
    %get3A_831 = arith.constant 0 : index
    %get3A_832 = arith.constant 0 : index
    %get3A_833 = vector.load %arg5[%get3A_830, %get3A_831, %get3A_832] : memref<48x16x512xbf16, #tpu.memory_space<vmem>>, vector<1x16x512xbf16>
    %get3A_834 = vector.shape_cast %get3A_833 : vector<1x16x512xbf16> to vector<16x512xbf16>
    %dot_general3A_835 = arith.constant dense<0.000000e+00> : vector<1x512xf32>
    %dot_general3A_836 = tpu.matmul %slice3A_823, %get3A_829, %dot_general3A_835 {dimension_numbers = #tpu.dot_dimension_numbers<[1], [0], [0], [1], [0, 0, 1, 1], [], []>, transpose_lhs_hint = false} : vector<1x16xbf16>, vector<16x512xbf16>, vector<1x512xf32> -> vector<1x512xf32>
    %dot_general3A_837 = arith.constant dense<0.000000e+00> : vector<1x512xf32>
    %dot_general3A_838 = tpu.matmul %slice3A_823, %get3A_834, %dot_general3A_837 {dimension_numbers = #tpu.dot_dimension_numbers<[1], [0], [0], [1], [0, 0, 1, 1], [], []>, transpose_lhs_hint = false} : vector<1x16xbf16>, vector<16x512xbf16>, vector<1x512xf32> -> vector<1x512xf32>
    %add3A_839 = arith.addf %dot_general3A_836, %dot_general3A_838 : vector<1x512xf32>
    %dot_general3A_840 = arith.constant dense<0.000000e+00> : vector<1x512xf32>
    %dot_general3A_841 = tpu.matmul %slice3A_824, %get3A_829, %dot_general3A_840 {dimension_numbers = #tpu.dot_dimension_numbers<[1], [0], [0], [1], [0, 0, 1, 1], [], []>, transpose_lhs_hint = false} : vector<1x16xbf16>, vector<16x512xbf16>, vector<1x512xf32> -> vector<1x512xf32>
    %add3A_842 = arith.addf %add3A_839, %dot_general3A_841 : vector<1x512xf32>
    %add3A_843 = arith.addf %add3A_759, %add3A_842 : vector<1x512xf32>
    %slice3A_844 = vector.extract_strided_slice %convert_element_type3A_26 {offsets = [39, 0], sizes = [1, 16], strides = [1, 1]} : vector<48x16xbf16> to vector<1x16xbf16>
    %slice3A_845 = vector.extract_strided_slice %convert_element_type3A_29 {offsets = [39, 0], sizes = [1, 16], strides = [1, 1]} : vector<48x16xbf16> to vector<1x16xbf16>
    %get3A_846 = arith.constant 39 : index
    %get3A_847 = arith.constant 0 : index
    %get3A_848 = arith.constant 0 : index
    %get3A_849 = vector.load %arg4[%get3A_846, %get3A_847, %get3A_848] : memref<48x16x512xbf16, #tpu.memory_space<vmem>>, vector<1x16x512xbf16>
    %get3A_850 = vector.shape_cast %get3A_849 : vector<1x16x512xbf16> to vector<16x512xbf16>
    %get3A_851 = arith.constant 39 : index
    %get3A_852 = arith.constant 0 : index
    %get3A_853 = arith.constant 0 : index
    %get3A_854 = vector.load %arg5[%get3A_851, %get3A_852, %get3A_853] : memref<48x16x512xbf16, #tpu.memory_space<vmem>>, vector<1x16x512xbf16>
    %get3A_855 = vector.shape_cast %get3A_854 : vector<1x16x512xbf16> to vector<16x512xbf16>
    %dot_general3A_856 = arith.constant dense<0.000000e+00> : vector<1x512xf32>
    %dot_general3A_857 = tpu.matmul %slice3A_844, %get3A_850, %dot_general3A_856 {dimension_numbers = #tpu.dot_dimension_numbers<[1], [0], [0], [1], [0, 0, 1, 1], [], []>, transpose_lhs_hint = false} : vector<1x16xbf16>, vector<16x512xbf16>, vector<1x512xf32> -> vector<1x512xf32>
    %dot_general3A_858 = arith.constant dense<0.000000e+00> : vector<1x512xf32>
    %dot_general3A_859 = tpu.matmul %slice3A_844, %get3A_855, %dot_general3A_858 {dimension_numbers = #tpu.dot_dimension_numbers<[1], [0], [0], [1], [0, 0, 1, 1], [], []>, transpose_lhs_hint = false} : vector<1x16xbf16>, vector<16x512xbf16>, vector<1x512xf32> -> vector<1x512xf32>
    %add3A_860 = arith.addf %dot_general3A_857, %dot_general3A_859 : vector<1x512xf32>
    %dot_general3A_861 = arith.constant dense<0.000000e+00> : vector<1x512xf32>
    %dot_general3A_862 = tpu.matmul %slice3A_845, %get3A_850, %dot_general3A_861 {dimension_numbers = #tpu.dot_dimension_numbers<[1], [0], [0], [1], [0, 0, 1, 1], [], []>, transpose_lhs_hint = false} : vector<1x16xbf16>, vector<16x512xbf16>, vector<1x512xf32> -> vector<1x512xf32>
    %add3A_863 = arith.addf %add3A_860, %dot_general3A_862 : vector<1x512xf32>
    %add3A_864 = arith.addf %add3A_780, %add3A_863 : vector<1x512xf32>
    %slice3A_865 = vector.extract_strided_slice %convert_element_type3A_26 {offsets = [40, 0], sizes = [1, 16], strides = [1, 1]} : vector<48x16xbf16> to vector<1x16xbf16>
    %slice3A_866 = vector.extract_strided_slice %convert_element_type3A_29 {offsets = [40, 0], sizes = [1, 16], strides = [1, 1]} : vector<48x16xbf16> to vector<1x16xbf16>
    %get3A_867 = arith.constant 40 : index
    %get3A_868 = arith.constant 0 : index
    %get3A_869 = arith.constant 0 : index
    %get3A_870 = vector.load %arg4[%get3A_867, %get3A_868, %get3A_869] : memref<48x16x512xbf16, #tpu.memory_space<vmem>>, vector<1x16x512xbf16>
    %get3A_871 = vector.shape_cast %get3A_870 : vector<1x16x512xbf16> to vector<16x512xbf16>
    %get3A_872 = arith.constant 40 : index
    %get3A_873 = arith.constant 0 : index
    %get3A_874 = arith.constant 0 : index
    %get3A_875 = vector.load %arg5[%get3A_872, %get3A_873, %get3A_874] : memref<48x16x512xbf16, #tpu.memory_space<vmem>>, vector<1x16x512xbf16>
    %get3A_876 = vector.shape_cast %get3A_875 : vector<1x16x512xbf16> to vector<16x512xbf16>
    %dot_general3A_877 = arith.constant dense<0.000000e+00> : vector<1x512xf32>
    %dot_general3A_878 = tpu.matmul %slice3A_865, %get3A_871, %dot_general3A_877 {dimension_numbers = #tpu.dot_dimension_numbers<[1], [0], [0], [1], [0, 0, 1, 1], [], []>, transpose_lhs_hint = false} : vector<1x16xbf16>, vector<16x512xbf16>, vector<1x512xf32> -> vector<1x512xf32>
    %dot_general3A_879 = arith.constant dense<0.000000e+00> : vector<1x512xf32>
    %dot_general3A_880 = tpu.matmul %slice3A_865, %get3A_876, %dot_general3A_879 {dimension_numbers = #tpu.dot_dimension_numbers<[1], [0], [0], [1], [0, 0, 1, 1], [], []>, transpose_lhs_hint = false} : vector<1x16xbf16>, vector<16x512xbf16>, vector<1x512xf32> -> vector<1x512xf32>
    %add3A_881 = arith.addf %dot_general3A_878, %dot_general3A_880 : vector<1x512xf32>
    %dot_general3A_882 = arith.constant dense<0.000000e+00> : vector<1x512xf32>
    %dot_general3A_883 = tpu.matmul %slice3A_866, %get3A_871, %dot_general3A_882 {dimension_numbers = #tpu.dot_dimension_numbers<[1], [0], [0], [1], [0, 0, 1, 1], [], []>, transpose_lhs_hint = false} : vector<1x16xbf16>, vector<16x512xbf16>, vector<1x512xf32> -> vector<1x512xf32>
    %add3A_884 = arith.addf %add3A_881, %dot_general3A_883 : vector<1x512xf32>
    %add3A_885 = arith.addf %add3A_801, %add3A_884 : vector<1x512xf32>
    %slice3A_886 = vector.extract_strided_slice %convert_element_type3A_26 {offsets = [41, 0], sizes = [1, 16], strides = [1, 1]} : vector<48x16xbf16> to vector<1x16xbf16>
    %slice3A_887 = vector.extract_strided_slice %convert_element_type3A_29 {offsets = [41, 0], sizes = [1, 16], strides = [1, 1]} : vector<48x16xbf16> to vector<1x16xbf16>
    %get3A_888 = arith.constant 41 : index
    %get3A_889 = arith.constant 0 : index
    %get3A_890 = arith.constant 0 : index
    %get3A_891 = vector.load %arg4[%get3A_888, %get3A_889, %get3A_890] : memref<48x16x512xbf16, #tpu.memory_space<vmem>>, vector<1x16x512xbf16>
    %get3A_892 = vector.shape_cast %get3A_891 : vector<1x16x512xbf16> to vector<16x512xbf16>
    %get3A_893 = arith.constant 41 : index
    %get3A_894 = arith.constant 0 : index
    %get3A_895 = arith.constant 0 : index
    %get3A_896 = vector.load %arg5[%get3A_893, %get3A_894, %get3A_895] : memref<48x16x512xbf16, #tpu.memory_space<vmem>>, vector<1x16x512xbf16>
    %get3A_897 = vector.shape_cast %get3A_896 : vector<1x16x512xbf16> to vector<16x512xbf16>
    %dot_general3A_898 = arith.constant dense<0.000000e+00> : vector<1x512xf32>
    %dot_general3A_899 = tpu.matmul %slice3A_886, %get3A_892, %dot_general3A_898 {dimension_numbers = #tpu.dot_dimension_numbers<[1], [0], [0], [1], [0, 0, 1, 1], [], []>, transpose_lhs_hint = false} : vector<1x16xbf16>, vector<16x512xbf16>, vector<1x512xf32> -> vector<1x512xf32>
    %dot_general3A_900 = arith.constant dense<0.000000e+00> : vector<1x512xf32>
    %dot_general3A_901 = tpu.matmul %slice3A_886, %get3A_897, %dot_general3A_900 {dimension_numbers = #tpu.dot_dimension_numbers<[1], [0], [0], [1], [0, 0, 1, 1], [], []>, transpose_lhs_hint = false} : vector<1x16xbf16>, vector<16x512xbf16>, vector<1x512xf32> -> vector<1x512xf32>
    %add3A_902 = arith.addf %dot_general3A_899, %dot_general3A_901 : vector<1x512xf32>
    %dot_general3A_903 = arith.constant dense<0.000000e+00> : vector<1x512xf32>
    %dot_general3A_904 = tpu.matmul %slice3A_887, %get3A_892, %dot_general3A_903 {dimension_numbers = #tpu.dot_dimension_numbers<[1], [0], [0], [1], [0, 0, 1, 1], [], []>, transpose_lhs_hint = false} : vector<1x16xbf16>, vector<16x512xbf16>, vector<1x512xf32> -> vector<1x512xf32>
    %add3A_905 = arith.addf %add3A_902, %dot_general3A_904 : vector<1x512xf32>
    %add3A_906 = arith.addf %add3A_822, %add3A_905 : vector<1x512xf32>
    %slice3A_907 = vector.extract_strided_slice %convert_element_type3A_26 {offsets = [42, 0], sizes = [1, 16], strides = [1, 1]} : vector<48x16xbf16> to vector<1x16xbf16>
    %slice3A_908 = vector.extract_strided_slice %convert_element_type3A_29 {offsets = [42, 0], sizes = [1, 16], strides = [1, 1]} : vector<48x16xbf16> to vector<1x16xbf16>
    %get3A_909 = arith.constant 42 : index
    %get3A_910 = arith.constant 0 : index
    %get3A_911 = arith.constant 0 : index
    %get3A_912 = vector.load %arg4[%get3A_909, %get3A_910, %get3A_911] : memref<48x16x512xbf16, #tpu.memory_space<vmem>>, vector<1x16x512xbf16>
    %get3A_913 = vector.shape_cast %get3A_912 : vector<1x16x512xbf16> to vector<16x512xbf16>
    %get3A_914 = arith.constant 42 : index
    %get3A_915 = arith.constant 0 : index
    %get3A_916 = arith.constant 0 : index
    %get3A_917 = vector.load %arg5[%get3A_914, %get3A_915, %get3A_916] : memref<48x16x512xbf16, #tpu.memory_space<vmem>>, vector<1x16x512xbf16>
    %get3A_918 = vector.shape_cast %get3A_917 : vector<1x16x512xbf16> to vector<16x512xbf16>
    %dot_general3A_919 = arith.constant dense<0.000000e+00> : vector<1x512xf32>
    %dot_general3A_920 = tpu.matmul %slice3A_907, %get3A_913, %dot_general3A_919 {dimension_numbers = #tpu.dot_dimension_numbers<[1], [0], [0], [1], [0, 0, 1, 1], [], []>, transpose_lhs_hint = false} : vector<1x16xbf16>, vector<16x512xbf16>, vector<1x512xf32> -> vector<1x512xf32>
    %dot_general3A_921 = arith.constant dense<0.000000e+00> : vector<1x512xf32>
    %dot_general3A_922 = tpu.matmul %slice3A_907, %get3A_918, %dot_general3A_921 {dimension_numbers = #tpu.dot_dimension_numbers<[1], [0], [0], [1], [0, 0, 1, 1], [], []>, transpose_lhs_hint = false} : vector<1x16xbf16>, vector<16x512xbf16>, vector<1x512xf32> -> vector<1x512xf32>
    %add3A_923 = arith.addf %dot_general3A_920, %dot_general3A_922 : vector<1x512xf32>
    %dot_general3A_924 = arith.constant dense<0.000000e+00> : vector<1x512xf32>
    %dot_general3A_925 = tpu.matmul %slice3A_908, %get3A_913, %dot_general3A_924 {dimension_numbers = #tpu.dot_dimension_numbers<[1], [0], [0], [1], [0, 0, 1, 1], [], []>, transpose_lhs_hint = false} : vector<1x16xbf16>, vector<16x512xbf16>, vector<1x512xf32> -> vector<1x512xf32>
    %add3A_926 = arith.addf %add3A_923, %dot_general3A_925 : vector<1x512xf32>
    %add3A_927 = arith.addf %add3A_843, %add3A_926 : vector<1x512xf32>
    %slice3A_928 = vector.extract_strided_slice %convert_element_type3A_26 {offsets = [43, 0], sizes = [1, 16], strides = [1, 1]} : vector<48x16xbf16> to vector<1x16xbf16>
    %slice3A_929 = vector.extract_strided_slice %convert_element_type3A_29 {offsets = [43, 0], sizes = [1, 16], strides = [1, 1]} : vector<48x16xbf16> to vector<1x16xbf16>
    %get3A_930 = arith.constant 43 : index
    %get3A_931 = arith.constant 0 : index
    %get3A_932 = arith.constant 0 : index
    %get3A_933 = vector.load %arg4[%get3A_930, %get3A_931, %get3A_932] : memref<48x16x512xbf16, #tpu.memory_space<vmem>>, vector<1x16x512xbf16>
    %get3A_934 = vector.shape_cast %get3A_933 : vector<1x16x512xbf16> to vector<16x512xbf16>
    %get3A_935 = arith.constant 43 : index
    %get3A_936 = arith.constant 0 : index
    %get3A_937 = arith.constant 0 : index
    %get3A_938 = vector.load %arg5[%get3A_935, %get3A_936, %get3A_937] : memref<48x16x512xbf16, #tpu.memory_space<vmem>>, vector<1x16x512xbf16>
    %get3A_939 = vector.shape_cast %get3A_938 : vector<1x16x512xbf16> to vector<16x512xbf16>
    %dot_general3A_940 = arith.constant dense<0.000000e+00> : vector<1x512xf32>
    %dot_general3A_941 = tpu.matmul %slice3A_928, %get3A_934, %dot_general3A_940 {dimension_numbers = #tpu.dot_dimension_numbers<[1], [0], [0], [1], [0, 0, 1, 1], [], []>, transpose_lhs_hint = false} : vector<1x16xbf16>, vector<16x512xbf16>, vector<1x512xf32> -> vector<1x512xf32>
    %dot_general3A_942 = arith.constant dense<0.000000e+00> : vector<1x512xf32>
    %dot_general3A_943 = tpu.matmul %slice3A_928, %get3A_939, %dot_general3A_942 {dimension_numbers = #tpu.dot_dimension_numbers<[1], [0], [0], [1], [0, 0, 1, 1], [], []>, transpose_lhs_hint = false} : vector<1x16xbf16>, vector<16x512xbf16>, vector<1x512xf32> -> vector<1x512xf32>
    %add3A_944 = arith.addf %dot_general3A_941, %dot_general3A_943 : vector<1x512xf32>
    %dot_general3A_945 = arith.constant dense<0.000000e+00> : vector<1x512xf32>
    %dot_general3A_946 = tpu.matmul %slice3A_929, %get3A_934, %dot_general3A_945 {dimension_numbers = #tpu.dot_dimension_numbers<[1], [0], [0], [1], [0, 0, 1, 1], [], []>, transpose_lhs_hint = false} : vector<1x16xbf16>, vector<16x512xbf16>, vector<1x512xf32> -> vector<1x512xf32>
    %add3A_947 = arith.addf %add3A_944, %dot_general3A_946 : vector<1x512xf32>
    %add3A_948 = arith.addf %add3A_864, %add3A_947 : vector<1x512xf32>
    %slice3A_949 = vector.extract_strided_slice %convert_element_type3A_26 {offsets = [44, 0], sizes = [1, 16], strides = [1, 1]} : vector<48x16xbf16> to vector<1x16xbf16>
    %slice3A_950 = vector.extract_strided_slice %convert_element_type3A_29 {offsets = [44, 0], sizes = [1, 16], strides = [1, 1]} : vector<48x16xbf16> to vector<1x16xbf16>
    %get3A_951 = arith.constant 44 : index
    %get3A_952 = arith.constant 0 : index
    %get3A_953 = arith.constant 0 : index
    %get3A_954 = vector.load %arg4[%get3A_951, %get3A_952, %get3A_953] : memref<48x16x512xbf16, #tpu.memory_space<vmem>>, vector<1x16x512xbf16>
    %get3A_955 = vector.shape_cast %get3A_954 : vector<1x16x512xbf16> to vector<16x512xbf16>
    %get3A_956 = arith.constant 44 : index
    %get3A_957 = arith.constant 0 : index
    %get3A_958 = arith.constant 0 : index
    %get3A_959 = vector.load %arg5[%get3A_956, %get3A_957, %get3A_958] : memref<48x16x512xbf16, #tpu.memory_space<vmem>>, vector<1x16x512xbf16>
    %get3A_960 = vector.shape_cast %get3A_959 : vector<1x16x512xbf16> to vector<16x512xbf16>
    %dot_general3A_961 = arith.constant dense<0.000000e+00> : vector<1x512xf32>
    %dot_general3A_962 = tpu.matmul %slice3A_949, %get3A_955, %dot_general3A_961 {dimension_numbers = #tpu.dot_dimension_numbers<[1], [0], [0], [1], [0, 0, 1, 1], [], []>, transpose_lhs_hint = false} : vector<1x16xbf16>, vector<16x512xbf16>, vector<1x512xf32> -> vector<1x512xf32>
    %dot_general3A_963 = arith.constant dense<0.000000e+00> : vector<1x512xf32>
    %dot_general3A_964 = tpu.matmul %slice3A_949, %get3A_960, %dot_general3A_963 {dimension_numbers = #tpu.dot_dimension_numbers<[1], [0], [0], [1], [0, 0, 1, 1], [], []>, transpose_lhs_hint = false} : vector<1x16xbf16>, vector<16x512xbf16>, vector<1x512xf32> -> vector<1x512xf32>
    %add3A_965 = arith.addf %dot_general3A_962, %dot_general3A_964 : vector<1x512xf32>
    %dot_general3A_966 = arith.constant dense<0.000000e+00> : vector<1x512xf32>
    %dot_general3A_967 = tpu.matmul %slice3A_950, %get3A_955, %dot_general3A_966 {dimension_numbers = #tpu.dot_dimension_numbers<[1], [0], [0], [1], [0, 0, 1, 1], [], []>, transpose_lhs_hint = false} : vector<1x16xbf16>, vector<16x512xbf16>, vector<1x512xf32> -> vector<1x512xf32>
    %add3A_968 = arith.addf %add3A_965, %dot_general3A_967 : vector<1x512xf32>
    %add3A_969 = arith.addf %add3A_885, %add3A_968 : vector<1x512xf32>
    %slice3A_970 = vector.extract_strided_slice %convert_element_type3A_26 {offsets = [45, 0], sizes = [1, 16], strides = [1, 1]} : vector<48x16xbf16> to vector<1x16xbf16>
    %slice3A_971 = vector.extract_strided_slice %convert_element_type3A_29 {offsets = [45, 0], sizes = [1, 16], strides = [1, 1]} : vector<48x16xbf16> to vector<1x16xbf16>
    %get3A_972 = arith.constant 45 : index
    %get3A_973 = arith.constant 0 : index
    %get3A_974 = arith.constant 0 : index
    %get3A_975 = vector.load %arg4[%get3A_972, %get3A_973, %get3A_974] : memref<48x16x512xbf16, #tpu.memory_space<vmem>>, vector<1x16x512xbf16>
    %get3A_976 = vector.shape_cast %get3A_975 : vector<1x16x512xbf16> to vector<16x512xbf16>
    %get3A_977 = arith.constant 45 : index
    %get3A_978 = arith.constant 0 : index
    %get3A_979 = arith.constant 0 : index
    %get3A_980 = vector.load %arg5[%get3A_977, %get3A_978, %get3A_979] : memref<48x16x512xbf16, #tpu.memory_space<vmem>>, vector<1x16x512xbf16>
    %get3A_981 = vector.shape_cast %get3A_980 : vector<1x16x512xbf16> to vector<16x512xbf16>
    %dot_general3A_982 = arith.constant dense<0.000000e+00> : vector<1x512xf32>
    %dot_general3A_983 = tpu.matmul %slice3A_970, %get3A_976, %dot_general3A_982 {dimension_numbers = #tpu.dot_dimension_numbers<[1], [0], [0], [1], [0, 0, 1, 1], [], []>, transpose_lhs_hint = false} : vector<1x16xbf16>, vector<16x512xbf16>, vector<1x512xf32> -> vector<1x512xf32>
    %dot_general3A_984 = arith.constant dense<0.000000e+00> : vector<1x512xf32>
    %dot_general3A_985 = tpu.matmul %slice3A_970, %get3A_981, %dot_general3A_984 {dimension_numbers = #tpu.dot_dimension_numbers<[1], [0], [0], [1], [0, 0, 1, 1], [], []>, transpose_lhs_hint = false} : vector<1x16xbf16>, vector<16x512xbf16>, vector<1x512xf32> -> vector<1x512xf32>
    %add3A_986 = arith.addf %dot_general3A_983, %dot_general3A_985 : vector<1x512xf32>
    %dot_general3A_987 = arith.constant dense<0.000000e+00> : vector<1x512xf32>
    %dot_general3A_988 = tpu.matmul %slice3A_971, %get3A_976, %dot_general3A_987 {dimension_numbers = #tpu.dot_dimension_numbers<[1], [0], [0], [1], [0, 0, 1, 1], [], []>, transpose_lhs_hint = false} : vector<1x16xbf16>, vector<16x512xbf16>, vector<1x512xf32> -> vector<1x512xf32>
    %add3A_989 = arith.addf %add3A_986, %dot_general3A_988 : vector<1x512xf32>
    %add3A_990 = arith.addf %add3A_906, %add3A_989 : vector<1x512xf32>
    %slice3A_991 = vector.extract_strided_slice %convert_element_type3A_26 {offsets = [46, 0], sizes = [1, 16], strides = [1, 1]} : vector<48x16xbf16> to vector<1x16xbf16>
    %slice3A_992 = vector.extract_strided_slice %convert_element_type3A_29 {offsets = [46, 0], sizes = [1, 16], strides = [1, 1]} : vector<48x16xbf16> to vector<1x16xbf16>
    %get3A_993 = arith.constant 46 : index
    %get3A_994 = arith.constant 0 : index
    %get3A_995 = arith.constant 0 : index
    %get3A_996 = vector.load %arg4[%get3A_993, %get3A_994, %get3A_995] : memref<48x16x512xbf16, #tpu.memory_space<vmem>>, vector<1x16x512xbf16>
    %get3A_997 = vector.shape_cast %get3A_996 : vector<1x16x512xbf16> to vector<16x512xbf16>
    %get3A_998 = arith.constant 46 : index
    %get3A_999 = arith.constant 0 : index
    %get3A_1000 = arith.constant 0 : index
    %get3A_1001 = vector.load %arg5[%get3A_998, %get3A_999, %get3A_1000] : memref<48x16x512xbf16, #tpu.memory_space<vmem>>, vector<1x16x512xbf16>
    %get3A_1002 = vector.shape_cast %get3A_1001 : vector<1x16x512xbf16> to vector<16x512xbf16>
    %dot_general3A_1003 = arith.constant dense<0.000000e+00> : vector<1x512xf32>
    %dot_general3A_1004 = tpu.matmul %slice3A_991, %get3A_997, %dot_general3A_1003 {dimension_numbers = #tpu.dot_dimension_numbers<[1], [0], [0], [1], [0, 0, 1, 1], [], []>, transpose_lhs_hint = false} : vector<1x16xbf16>, vector<16x512xbf16>, vector<1x512xf32> -> vector<1x512xf32>
    %dot_general3A_1005 = arith.constant dense<0.000000e+00> : vector<1x512xf32>
    %dot_general3A_1006 = tpu.matmul %slice3A_991, %get3A_1002, %dot_general3A_1005 {dimension_numbers = #tpu.dot_dimension_numbers<[1], [0], [0], [1], [0, 0, 1, 1], [], []>, transpose_lhs_hint = false} : vector<1x16xbf16>, vector<16x512xbf16>, vector<1x512xf32> -> vector<1x512xf32>
    %add3A_1007 = arith.addf %dot_general3A_1004, %dot_general3A_1006 : vector<1x512xf32>
    %dot_general3A_1008 = arith.constant dense<0.000000e+00> : vector<1x512xf32>
    %dot_general3A_1009 = tpu.matmul %slice3A_992, %get3A_997, %dot_general3A_1008 {dimension_numbers = #tpu.dot_dimension_numbers<[1], [0], [0], [1], [0, 0, 1, 1], [], []>, transpose_lhs_hint = false} : vector<1x16xbf16>, vector<16x512xbf16>, vector<1x512xf32> -> vector<1x512xf32>
    %add3A_1010 = arith.addf %add3A_1007, %dot_general3A_1009 : vector<1x512xf32>
    %add3A_1011 = arith.addf %add3A_927, %add3A_1010 : vector<1x512xf32>
    %slice3A_1012 = vector.extract_strided_slice %convert_element_type3A_26 {offsets = [47, 0], sizes = [1, 16], strides = [1, 1]} : vector<48x16xbf16> to vector<1x16xbf16>
    %slice3A_1013 = vector.extract_strided_slice %convert_element_type3A_29 {offsets = [47, 0], sizes = [1, 16], strides = [1, 1]} : vector<48x16xbf16> to vector<1x16xbf16>
    %get3A_1014 = arith.constant 47 : index
    %get3A_1015 = arith.constant 0 : index
    %get3A_1016 = arith.constant 0 : index
    %get3A_1017 = vector.load %arg4[%get3A_1014, %get3A_1015, %get3A_1016] : memref<48x16x512xbf16, #tpu.memory_space<vmem>>, vector<1x16x512xbf16>
    %get3A_1018 = vector.shape_cast %get3A_1017 : vector<1x16x512xbf16> to vector<16x512xbf16>
    %get3A_1019 = arith.constant 47 : index
    %get3A_1020 = arith.constant 0 : index
    %get3A_1021 = arith.constant 0 : index
    %get3A_1022 = vector.load %arg5[%get3A_1019, %get3A_1020, %get3A_1021] : memref<48x16x512xbf16, #tpu.memory_space<vmem>>, vector<1x16x512xbf16>
    %get3A_1023 = vector.shape_cast %get3A_1022 : vector<1x16x512xbf16> to vector<16x512xbf16>
    %dot_general3A_1024 = arith.constant dense<0.000000e+00> : vector<1x512xf32>
    %dot_general3A_1025 = tpu.matmul %slice3A_1012, %get3A_1018, %dot_general3A_1024 {dimension_numbers = #tpu.dot_dimension_numbers<[1], [0], [0], [1], [0, 0, 1, 1], [], []>, transpose_lhs_hint = false} : vector<1x16xbf16>, vector<16x512xbf16>, vector<1x512xf32> -> vector<1x512xf32>
    %dot_general3A_1026 = arith.constant dense<0.000000e+00> : vector<1x512xf32>
    %dot_general3A_1027 = tpu.matmul %slice3A_1012, %get3A_1023, %dot_general3A_1026 {dimension_numbers = #tpu.dot_dimension_numbers<[1], [0], [0], [1], [0, 0, 1, 1], [], []>, transpose_lhs_hint = false} : vector<1x16xbf16>, vector<16x512xbf16>, vector<1x512xf32> -> vector<1x512xf32>
    %add3A_1028 = arith.addf %dot_general3A_1025, %dot_general3A_1027 : vector<1x512xf32>
    %dot_general3A_1029 = arith.constant dense<0.000000e+00> : vector<1x512xf32>
    %dot_general3A_1030 = tpu.matmul %slice3A_1013, %get3A_1018, %dot_general3A_1029 {dimension_numbers = #tpu.dot_dimension_numbers<[1], [0], [0], [1], [0, 0, 1, 1], [], []>, transpose_lhs_hint = false} : vector<1x16xbf16>, vector<16x512xbf16>, vector<1x512xf32> -> vector<1x512xf32>
    %add3A_1031 = arith.addf %add3A_1028, %dot_general3A_1030 : vector<1x512xf32>
    %add3A_1032 = arith.addf %add3A_948, %add3A_1031 : vector<1x512xf32>
    %get3A_1033 = arith.constant 0 : index
    %get3A_1034 = arith.constant 0 : index
    %get3A_1035 = vector.load %arg6[%get3A_1033, %get3A_1034] : memref<1x512xf32, #tpu.memory_space<vmem>>, vector<1x512xf32>
    %add3A_1036 = arith.addf %add3A_969, %add3A_990 : vector<1x512xf32>
    %add3A_1037 = arith.addf %add3A_1011, %add3A_1032 : vector<1x512xf32>
    %add3A_1038 = arith.addf %add3A_1036, %add3A_1037 : vector<1x512xf32>
    %add3A_1039 = arith.addf %get3A_1035, %add3A_1038 : vector<1x512xf32>
    %max3A = arith.constant 0.000000e+00 : f32
    %max3A_1040 = vector.broadcast %max3A : f32 to vector<1x512xf32>
    %max3A_1041 = arith.maximumf %add3A_1039, %max3A_1040 : vector<1x512xf32>
    %convert_element_type3A_1042 = arith.truncf %max3A_1041 : vector<1x512xf32> to vector<1x512xbf16>
    %convert_element_type3A_1043 = arith.extf %convert_element_type3A_1042 : vector<1x512xbf16> to vector<1x512xf32>
    %sub3A_1044 = arith.subf %max3A_1041, %convert_element_type3A_1043 : vector<1x512xf32>
    %convert_element_type3A_1045 = arith.truncf %sub3A_1044 : vector<1x512xf32> to vector<1x512xbf16>
    %get3A_1046 = arith.constant 0 : index
    %get3A_1047 = arith.constant 0 : index
    %get3A_1048 = vector.load %arg7[%get3A_1046, %get3A_1047] : memref<512x64xbf16, #tpu.memory_space<vmem>>, vector<512x64xbf16>
    %get3A_1049 = arith.constant 0 : index
    %get3A_1050 = arith.constant 0 : index
    %get3A_1051 = vector.load %arg8[%get3A_1049, %get3A_1050] : memref<512x64xbf16, #tpu.memory_space<vmem>>, vector<512x64xbf16>
    %dot_general3A_1052 = arith.constant dense<0.000000e+00> : vector<1x64xf32>
    %dot_general3A_1053 = tpu.matmul %convert_element_type3A_1042, %get3A_1048, %dot_general3A_1052 {dimension_numbers = #tpu.dot_dimension_numbers<[1], [0], [0], [1], [0, 0, 1, 1], [], []>, transpose_lhs_hint = false} : vector<1x512xbf16>, vector<512x64xbf16>, vector<1x64xf32> -> vector<1x64xf32>
    %dot_general3A_1054 = arith.constant dense<0.000000e+00> : vector<1x64xf32>
    %dot_general3A_1055 = tpu.matmul %convert_element_type3A_1042, %get3A_1051, %dot_general3A_1054 {dimension_numbers = #tpu.dot_dimension_numbers<[1], [0], [0], [1], [0, 0, 1, 1], [], []>, transpose_lhs_hint = false} : vector<1x512xbf16>, vector<512x64xbf16>, vector<1x64xf32> -> vector<1x64xf32>
    %add3A_1056 = arith.addf %dot_general3A_1053, %dot_general3A_1055 : vector<1x64xf32>
    %dot_general3A_1057 = arith.constant dense<0.000000e+00> : vector<1x64xf32>
    %dot_general3A_1058 = tpu.matmul %convert_element_type3A_1045, %get3A_1048, %dot_general3A_1057 {dimension_numbers = #tpu.dot_dimension_numbers<[1], [0], [0], [1], [0, 0, 1, 1], [], []>, transpose_lhs_hint = false} : vector<1x512xbf16>, vector<512x64xbf16>, vector<1x64xf32> -> vector<1x64xf32>
    %add3A_1059 = arith.addf %add3A_1056, %dot_general3A_1058 : vector<1x64xf32>
    %get3A_1060 = arith.constant 0 : index
    %get3A_1061 = arith.constant 0 : index
    %get3A_1062 = vector.load %arg9[%get3A_1060, %get3A_1061] : memref<1x64xf32, #tpu.memory_space<vmem>>, vector<1x64xf32>
    %add3A_1063 = arith.addf %add3A_1059, %get3A_1062 : vector<1x64xf32>
    %iota3A = tpu.iota {dimensions = array<i32: 1>} : vector<1x64xi32>
    %reduce_max3A = arith.constant dense<0xFF800000> : vector<1xf32>
    %reduce_max3A_1064 = vector.multi_reduction <maximumf>, %add3A_1063, %reduce_max3A [1] : vector<1x64xf32> to vector<1xf32>
    %broadcast_in_dim3A = vector.shape_cast %reduce_max3A_1064 : vector<1xf32> to vector<1x1xf32>
    %eq3A = vector.broadcast %broadcast_in_dim3A : vector<1x1xf32> to vector<1x64xf32>
    %eq3A_1065 = arith.cmpf oeq, %add3A_1063, %eq3A : vector<1x64xf32>
    %jit3A = arith.constant 64 : i32
    %broadcast_in_dim3A_1066 = vector.broadcast %jit3A : i32 to vector<1x64xi32>
    %select_n3A = arith.select %eq3A_1065, %iota3A, %broadcast_in_dim3A_1066 : vector<1x64xi1>, vector<1x64xi32>
    %reduce_min3A = arith.constant dense<2147483647> : vector<1xi32>
    %reduce_min3A_1067 = vector.multi_reduction <minsi>, %select_n3A, %reduce_min3A [1] : vector<1x64xi32> to vector<1xi32>
    %broadcast_in_dim3A_1068 = vector.shape_cast %reduce_min3A_1067 : vector<1xi32> to vector<1x1xi32>
    %eq3A_1069 = vector.broadcast %broadcast_in_dim3A_1068 : vector<1x1xi32> to vector<1x64xi32>
    %eq3A_1070 = arith.cmpi eq, %iota3A, %eq3A_1069 : vector<1x64xi32>
    %jit3A_1071 = arith.constant -1.000000e+30 : f32
    %broadcast_in_dim3A_1072 = vector.broadcast %jit3A_1071 : f32 to vector<1x64xf32>
    %select_n3A_1073 = arith.select %eq3A_1070, %broadcast_in_dim3A_1072, %add3A_1063 : vector<1x64xi1>, vector<1x64xf32>
    %reduce_max3A_1074 = arith.constant dense<0xFF800000> : vector<1xf32>
    %reduce_max3A_1075 = vector.multi_reduction <maximumf>, %select_n3A_1073, %reduce_max3A_1074 [1] : vector<1x64xf32> to vector<1xf32>
    %broadcast_in_dim3A_1076 = vector.shape_cast %reduce_max3A_1075 : vector<1xf32> to vector<1x1xf32>
    %eq3A_1077 = vector.broadcast %broadcast_in_dim3A_1076 : vector<1x1xf32> to vector<1x64xf32>
    %eq3A_1078 = arith.cmpf oeq, %select_n3A_1073, %eq3A_1077 : vector<1x64xf32>
    %jit3A_1079 = arith.constant 64 : i32
    %broadcast_in_dim3A_1080 = vector.broadcast %jit3A_1079 : i32 to vector<1x64xi32>
    %select_n3A_1081 = arith.select %eq3A_1078, %iota3A, %broadcast_in_dim3A_1080 : vector<1x64xi1>, vector<1x64xi32>
    %reduce_min3A_1082 = arith.constant dense<2147483647> : vector<1xi32>
    %reduce_min3A_1083 = vector.multi_reduction <minsi>, %select_n3A_1081, %reduce_min3A_1082 [1] : vector<1x64xi32> to vector<1xi32>
    %broadcast_in_dim3A_1084 = vector.shape_cast %reduce_min3A_1083 : vector<1xi32> to vector<1x1xi32>
    %iota3A_1085 = tpu.iota {dimensions = array<i32: 1>} : vector<1x128xi32>
    %eq3A_1086 = arith.constant 0 : i32
    %eq3A_1087 = vector.broadcast %eq3A_1086 : i32 to vector<1x128xi32>
    %eq3A_1088 = arith.cmpi eq, %iota3A_1085, %eq3A_1087 : vector<1x128xi32>
    %broadcast_in_dim3A_1089 = vector.shape_cast %broadcast_in_dim3A_1068 : vector<1x1xi32> to vector<1x1xi32>
    %broadcast_in_dim3A_1090 = vector.broadcast %broadcast_in_dim3A_1089 : vector<1x1xi32> to vector<1x128xi32>
    %broadcast_in_dim3A_1091 = vector.shape_cast %broadcast_in_dim3A_1084 : vector<1x1xi32> to vector<1x1xi32>
    %broadcast_in_dim3A_1092 = vector.broadcast %broadcast_in_dim3A_1091 : vector<1x1xi32> to vector<1x128xi32>
    %select_n3A_1093 = arith.select %eq3A_1088, %broadcast_in_dim3A_1090, %broadcast_in_dim3A_1092 : vector<1x128xi1>, vector<1x128xi32>
    %swap3A = arith.constant 0 : index
    %swap3A_1094 = arith.constant 0 : index
    %swap3A_1095 = arith.constant 0 : index
    %swap3A_1096 = vector.load %arg11[%swap3A, %swap3A_1094, %swap3A_1095] : memref<1x1x128xi32, #tpu.memory_space<vmem>>, vector<1x1x128xi32>
    %swap3A_1097 = vector.shape_cast %swap3A_1096 : vector<1x1x128xi32> to vector<1x128xi32>
    %swap3A_1098 = vector.shape_cast %select_n3A_1093 : vector<1x128xi32> to vector<1x1x128xi32>
    tpu.vector_store %arg11[%swap3A, %swap3A_1094, %swap3A_1095], %swap3A_1098 {strides = array<i32>} : memref<1x1x128xi32, #tpu.memory_space<vmem>>, vector<1x1x128xi32>,
    %iota3A_1099 = tpu.iota {dimensions = array<i32: 1>} : vector<1x512xi32>
    %lt3A = arith.constant 256 : i32
    %lt3A_1100 = vector.broadcast %lt3A : i32 to vector<1x512xi32>
    %lt3A_1101 = arith.cmpi slt, %iota3A_1099, %lt3A_1100 : vector<1x512xi32>
    %broadcast_in_dim3A_1102 = vector.shape_cast %broadcast_in_dim3A_1068 : vector<1x1xi32> to vector<1x1xi32>
    %broadcast_in_dim3A_1103 = vector.broadcast %broadcast_in_dim3A_1102 : vector<1x1xi32> to vector<1x512xi32>
    %broadcast_in_dim3A_1104 = vector.shape_cast %broadcast_in_dim3A_1084 : vector<1x1xi32> to vector<1x1xi32>
    %broadcast_in_dim3A_1105 = vector.broadcast %broadcast_in_dim3A_1104 : vector<1x1xi32> to vector<1x512xi32>
    %select_n3A_1106 = arith.select %lt3A_1101, %broadcast_in_dim3A_1103, %broadcast_in_dim3A_1105 : vector<1x512xi1>, vector<1x512xi32>
    %mul3A_1107 = arith.constant 256 : i32
    %mul3A_1108 = vector.broadcast %mul3A_1107 : i32 to vector<1x512xi32>
    %mul3A_1109 = arith.muli %select_n3A_1106, %mul3A_1108 : vector<1x512xi32>
    %and3A = arith.constant 255 : i32
    %and3A_1110 = vector.broadcast %and3A : i32 to vector<1x512xi32>
    %and3A_1111 = arith.andi %iota3A_1099, %and3A_1110 : vector<1x512xi32>
    %add3A_1112 = arith.addi %mul3A_1109, %and3A_1111 : vector<1x512xi32>
    %swap3A_1113 = arith.constant 0 : index
    %swap3A_1114 = arith.constant 0 : index
    %swap3A_1115 = arith.constant 0 : index
    %swap3A_1116 = vector.load %arg13[%swap3A_1113, %swap3A_1114, %swap3A_1115] : memref<1x1x512xi32, #tpu.memory_space<vmem>>, vector<1x1x512xi32>
    %swap3A_1117 = vector.shape_cast %swap3A_1116 : vector<1x1x512xi32> to vector<1x512xi32>
    %swap3A_1118 = vector.shape_cast %add3A_1112 : vector<1x512xi32> to vector<1x1x512xi32>
    tpu.vector_store %arg13[%swap3A_1113, %swap3A_1114, %swap3A_1115], %swap3A_1118 {strides = array<i32>} : memref<1x1x512xi32, #tpu.memory_space<vmem>>, vector<1x1x512xi32>,
    %slice3A_1119 = vector.extract_strided_slice %max3A_1041 {offsets = [0, 0], sizes = [1, 128], strides = [1, 1]} : vector<1x512xf32> to vector<1x128xf32>
    %jit3A_1120 = arith.constant 0 : i32
    %convert_element_type3A_1121 = arith.sitofp %jit3A_1120 : i32 to f32
    %pad3A = vector.broadcast %convert_element_type3A_1121 : f32 to vector<1x384xf32>
    %pad3A_1122 = tpu.concatenate %slice3A_1119, %pad3A in 1 : vector<1x128xf32>, vector<1x384xf32> -> vector<1x512xf32>
    %slice3A_1123 = vector.extract_strided_slice %max3A_1041 {offsets = [0, 128], sizes = [1, 128], strides = [1, 1]} : vector<1x512xf32> to vector<1x128xf32>
    %jit3A_1124 = arith.constant 0 : i32
    %convert_element_type3A_1125 = arith.sitofp %jit3A_1124 : i32 to f32
    %pad3A_1126 = vector.broadcast %convert_element_type3A_1125 : f32 to vector<1x384xf32>
    %pad3A_1127 = tpu.concatenate %slice3A_1123, %pad3A_1126 in 1 : vector<1x128xf32>, vector<1x384xf32> -> vector<1x512xf32>
    %slice3A_1128 = vector.extract_strided_slice %max3A_1041 {offsets = [0, 256], sizes = [1, 128], strides = [1, 1]} : vector<1x512xf32> to vector<1x128xf32>
    %jit3A_1129 = arith.constant 0 : i32
    %convert_element_type3A_1130 = arith.sitofp %jit3A_1129 : i32 to f32
    %pad3A_1131 = vector.broadcast %convert_element_type3A_1130 : f32 to vector<1x384xf32>
    %pad3A_1132 = tpu.concatenate %slice3A_1128, %pad3A_1131 in 1 : vector<1x128xf32>, vector<1x384xf32> -> vector<1x512xf32>
    %slice3A_1133 = vector.extract_strided_slice %max3A_1041 {offsets = [0, 384], sizes = [1, 128], strides = [1, 1]} : vector<1x512xf32> to vector<1x128xf32>
    %jit3A_1134 = arith.constant 0 : i32
    %convert_element_type3A_1135 = arith.sitofp %jit3A_1134 : i32 to f32
    %pad3A_1136 = vector.broadcast %convert_element_type3A_1135 : f32 to vector<1x384xf32>
    %pad3A_1137 = tpu.concatenate %slice3A_1133, %pad3A_1136 in 1 : vector<1x128xf32>, vector<1x384xf32> -> vector<1x512xf32>
    %concatenate3A = tpu.concatenate %max3A_1041, %pad3A_1122, %pad3A_1127, %pad3A_1132, %pad3A_1137 in 0 : vector<1x512xf32>, vector<1x512xf32>, vector<1x512xf32>, vector<1x512xf32>, vector<1x512xf32> -> vector<5x512xf32>
    %swap3A_1138 = arith.constant 0 : index
    %swap3A_1139 = arith.constant 0 : index
    %swap3A_1140 = arith.constant 0 : index
    %swap3A_1141 = vector.load %arg10[%swap3A_1138, %swap3A_1139, %swap3A_1140] : memref<1x5x512xf32, #tpu.memory_space<vmem>>, vector<1x5x512xf32>
    %swap3A_1142 = vector.shape_cast %swap3A_1141 : vector<1x5x512xf32> to vector<5x512xf32>
    %swap3A_1143 = vector.shape_cast %concatenate3A : vector<5x512xf32> to vector<1x5x512xf32>
    tpu.vector_store %arg10[%swap3A_1138, %swap3A_1139, %swap3A_1140], %swap3A_1143 {strides = array<i32>} : memref<1x5x512xf32, #tpu.memory_space<vmem>>, vector<1x5x512xf32>,
    %broadcast_in_dim3A_1144 = vector.shape_cast %concatenate3A : vector<5x512xf32> to vector<5x1x512xf32>
    %broadcast_in_dim3A_1145 = vector.shape_cast %concatenate3A : vector<5x512xf32> to vector<1x5x512xf32>
    %sub3A_1146 = vector.broadcast %broadcast_in_dim3A_1144 : vector<5x1x512xf32> to vector<5x5x512xf32>
    %sub3A_1147 = vector.broadcast %broadcast_in_dim3A_1145 : vector<1x5x512xf32> to vector<5x5x512xf32>
    %sub3A_1148 = arith.subf %sub3A_1146, %sub3A_1147 : vector<5x5x512xf32>
    %mul3A_1149 = arith.mulf %sub3A_1148, %sub3A_1148 : vector<5x5x512xf32>
    %reduce_sum3A = arith.constant dense<0.000000e+00> : vector<5x5xf32>
    %reduce_sum3A_1150 = vector.multi_reduction <add>, %mul3A_1149, %reduce_sum3A [2] : vector<5x5x512xf32> to vector<5x5xf32>
    %iota3A_1151 = tpu.iota {dimensions = array<i32: 1>} : vector<5x5xi32>
    %iota3A_1152 = tpu.iota {dimensions = array<i32: 0>} : vector<5x5xi32>
    %reduce_max3A_1153 = arith.constant dense<0xFF800000> : vector<5xf32>
    %reduce_max3A_1154 = vector.multi_reduction <maximumf>, %reduce_sum3A_1150, %reduce_max3A_1153 [1] : vector<5x5xf32> to vector<5xf32>
    %broadcast_in_dim3A_1155 = vector.shape_cast %reduce_max3A_1154 : vector<5xf32> to vector<5x1xf32>
    %eq3A_1156 = vector.broadcast %broadcast_in_dim3A_1155 : vector<5x1xf32> to vector<5x5xf32>
    %eq3A_1157 = arith.cmpf oeq, %reduce_sum3A_1150, %eq3A_1156 : vector<5x5xf32>
    %jit3A_1158 = arith.constant -1 : i32
    %broadcast_in_dim3A_1159 = vector.broadcast %jit3A_1158 : i32 to vector<5x5xi32>
    %select_n3A_1160 = arith.select %eq3A_1157, %iota3A_1151, %broadcast_in_dim3A_1159 : vector<5x5xi1>, vector<5x5xi32>
    %reduce_max3A_1161 = arith.constant dense<-2147483648> : vector<5xi32>
    %reduce_max3A_1162 = vector.multi_reduction <maxsi>, %select_n3A_1160, %reduce_max3A_1161 [1] : vector<5x5xi32> to vector<5xi32>
    %broadcast_in_dim3A_1163 = vector.shape_cast %reduce_max3A_1162 : vector<5xi32> to vector<5x1xi32>
    %ne3A = vector.broadcast %broadcast_in_dim3A_1163 : vector<5x1xi32> to vector<5x5xi32>
    %ne3A_1164 = arith.cmpi ne, %iota3A_1151, %ne3A : vector<5x5xi32>
    %convert_element_type3A_1165 = arith.extui %ne3A_1164 : vector<5x5xi1> to vector<5x5xi32>
    %convert_element_type3A_1166 = arith.sitofp %convert_element_type3A_1165 : vector<5x5xi32> to vector<5x5xf32>
    %eq3A_1167 = arith.cmpi eq, %iota3A_1151, %iota3A_1152 : vector<5x5xi32>
    %convert_element_type3A_1168 = arith.extui %eq3A_1167 : vector<5x5xi1> to vector<5x5xi32>
    %convert_element_type3A_1169 = arith.sitofp %convert_element_type3A_1168 : vector<5x5xi32> to vector<5x5xf32>
    %add3A_1170 = arith.addf %convert_element_type3A_1166, %convert_element_type3A_1169 : vector<5x5xf32>
    %swap3A_1171 = arith.constant 0 : index
    %swap3A_1172 = arith.constant 0 : index
    %swap3A_1173 = arith.constant 0 : index
    %swap3A_1174 = vector.load %arg12[%swap3A_1171, %swap3A_1172, %swap3A_1173] : memref<1x5x5xf32, #tpu.memory_space<vmem>>, vector<1x5x5xf32>
    %swap3A_1175 = vector.shape_cast %swap3A_1174 : vector<1x5x5xf32> to vector<5x5xf32>
    %swap3A_1176 = vector.shape_cast %add3A_1170 : vector<5x5xf32> to vector<1x5x5xf32>
    tpu.vector_store %arg12[%swap3A_1171, %swap3A_1172, %swap3A_1173], %swap3A_1176 {strides = array<i32>} : memref<1x5x5xf32, #tpu.memory_space<vmem>>, vector<1x5x5xf32>,
    return
  }
  func.func @transform_0(%arg0: i32) -> (i32, i32, i32) {
    %c0_i32 = arith.constant 0 : i32
    %c0_i32_0 = arith.constant 0 : i32
    %c0_i32_1 = arith.constant 0 : i32
    return %arg0, %c0_i32, %c0_i32_0 : i32, i32, i32
  }
  func.func @transform_1(%arg0: i32) -> (i32, i32) {
    %c0_i32 = arith.constant 0 : i32
    %c0_i32_0 = arith.constant 0 : i32
    %c0_i32_1 = arith.constant 0 : i32
    return %c0_i32, %c0_i32_0 : i32, i32
  }
  func.func @transform_2(%arg0: i32) -> (i32, i32) {
    %c0_i32 = arith.constant 0 : i32
    %c0_i32_0 = arith.constant 0 : i32
    %c0_i32_1 = arith.constant 0 : i32
    return %c0_i32, %c0_i32_0 : i32, i32
  }
  func.func @transform_3(%arg0: i32) -> (i32, i32, i32) {
    %c0_i32 = arith.constant 0 : i32
    %c0_i32_0 = arith.constant 0 : i32
    %c0_i32_1 = arith.constant 0 : i32
    %c0_i32_2 = arith.constant 0 : i32
    return %c0_i32, %c0_i32_0, %c0_i32_1 : i32, i32, i32
  }
  func.func @transform_4(%arg0: i32) -> (i32, i32, i32) {
    %c0_i32 = arith.constant 0 : i32
    %c0_i32_0 = arith.constant 0 : i32
    %c0_i32_1 = arith.constant 0 : i32
    %c0_i32_2 = arith.constant 0 : i32
    return %c0_i32, %c0_i32_0, %c0_i32_1 : i32, i32, i32
  }
  func.func @transform_5(%arg0: i32) -> (i32, i32) {
    %c0_i32 = arith.constant 0 : i32
    %c0_i32_0 = arith.constant 0 : i32
    %c0_i32_1 = arith.constant 0 : i32
    return %c0_i32, %c0_i32_0 : i32, i32
  }
  func.func @transform_6(%arg0: i32) -> (i32, i32) {
    %c0_i32 = arith.constant 0 : i32
    %c0_i32_0 = arith.constant 0 : i32
    %c0_i32_1 = arith.constant 0 : i32
    return %c0_i32, %c0_i32_0 : i32, i32
  }
  func.func @transform_7(%arg0: i32) -> (i32, i32) {
    %c0_i32 = arith.constant 0 : i32
    %c0_i32_0 = arith.constant 0 : i32
    %c0_i32_1 = arith.constant 0 : i32
    return %c0_i32, %c0_i32_0 : i32, i32
  }
  func.func @transform_8(%arg0: i32) -> (i32, i32) {
    %c0_i32 = arith.constant 0 : i32
    %c0_i32_0 = arith.constant 0 : i32
    %c0_i32_1 = arith.constant 0 : i32
    return %c0_i32, %c0_i32_0 : i32, i32
  }
  func.func @transform_9(%arg0: i32) -> (i32, i32, i32) {
    %c0_i32 = arith.constant 0 : i32
    %c0_i32_0 = arith.constant 0 : i32
    %c0_i32_1 = arith.constant 0 : i32
    return %arg0, %c0_i32, %c0_i32_0 : i32, i32, i32
  }
  func.func @transform_10(%arg0: i32) -> (i32, i32, i32) {
    %c0_i32 = arith.constant 0 : i32
    %c0_i32_0 = arith.constant 0 : i32
    %c0_i32_1 = arith.constant 0 : i32
    return %arg0, %c0_i32, %c0_i32_0 : i32, i32, i32
  }
  func.func @transform_11(%arg0: i32) -> (i32, i32, i32) {
    %c0_i32 = arith.constant 0 : i32
    %c0_i32_0 = arith.constant 0 : i32
    %c0_i32_1 = arith.constant 0 : i32
    return %arg0, %c0_i32, %c0_i32_0 : i32, i32, i32
  }
  func.func @transform_12(%arg0: i32) -> (i32, i32, i32) {
    %c0_i32 = arith.constant 0 : i32
    %c0_i32_0 = arith.constant 0 : i32
    %c0_i32_1 = arith.constant 0 : i32
    return %arg0, %c0_i32, %c0_i32_0 : i32, i32, i32
  }
}

</mosaic_0001>

<sc_bundles>
// kernel: kernel.5.cloned.1.call-start
scs
__scs_entry_jumppad:
0x0: {  	(pc) =	sbr.rel $0x88, $3  }
0x1: {  	(tag) =	ssettag $0x0;
	lr =	simm.s32 $0x1  }
0x2: {  	[smem:$0x3F96] =	sst lr;
	_ =	strace $0xD0000000  }
0x3: {  	_ = 	snop  }
0x4: {  	_ = 	snop  }
0x5: {  	_ = 	snop  }
0x6: {  	_ = 	snop  }
0x7: {  	_ = 	snop  }
__scs_overlays_trampoline_lowered:
0x8: {  	[smem:$0x3FA5] =	sst s0  }
0x9: {  	[smem:$0x3FA6] =	sst s1  }
0xa: {  	[smem:$0x3FA7] =	sst s2  }
0xb: {  	[smem:$0x3FA8] =	sst s3  }
0xc: {  	[smem:$0x3FA9] =	sst s4  }
0xd: {  	[smem:$0x3FAA] =	sst s5  }
0xe: {  	[smem:$0x3FAB] =	sst s6  }
0xf: {  	[smem:$0x3FAC] =	sst s7  }
0x10: {  	[smem:$0x3FAD] =	sst s8  }
0x11: {  	[smem:$0x3FAE] =	sst s9;
	s0 =	simm.s32 @!p0 $0x0  }
0x12: {  	s1 =	sld [smem:$0x3F94];
	s0 =	simm.s32 @p0 $0x1  }
0x13: {  	[smem:$0x3FAF] =	sst s0;
	s0 =	simm.s32 @!p1 $0x0  }
0x14: {  	s2 =	sld [smem:$0x3F93];
	s0 =	simm.s32 @p1 $0x1  }
0x15: {  	[smem:$0x3FB0] =	sst s0;
	s0 =	simm.s32 @!p2 $0x0  }
0x16: {  	s3 =	sld [smem:$0x3FDB];
	s0 =	simm.s32 @p2 $0x1  }
0x17: {  	s4 =	simm.s32 $0x1BF5;
	[smem:$0x3FB2] =	sst s0  }
0x18: {  	s0 =	sld [smem:$0x3F95];
	_ =	swait.ge [sflag:s4], $0x0  }
0x19: {  	s7 =	sld [smem:$0x3F96]  }
0x1a: {  	s8 =	sadd.s32 $0xFFFFE003, lr  }
0x1b: {  	s9 =	sadd.s32 $0xFFFFFEF7, lr;
	s5 =	simm.s32 $0xFFFFFFFF;
	p2 =	slt.u32 s8, $0xFFFFF086  }
0x1c: {  	p1 =	slt.u32 s9, $0xF7A;
	s5 =	simm.s32 @!p2 $0x0  }
0x1d: {  	s5 =	simm.s32 @p1 $0x1;
	p0 =	seq.s32 s7, s2  }
0x1e: {  	s7 =	smul.u32 @!p0 $0xF7A, s2;
	p2 =	seq.s32 @!p0 s5, $0x0  }
0x1f: {  	s9 =	smul.u32 $0xF7A, s1;
	s8 =	simm.s32 @!p0 $0x1BF5;
	p2 =	por !p2, p0  }
0x20: {  	[sflag:s8] =	ssyncset.s32 @!p0 $0xFFFFF086;
	s6 =	sadd.s32 @!p0 s3, s7;
	s7 =	simm.s32 @!p0 $0x108  }
0x21: {  	s3 =	sadd.s32 s3, s9;
	s6 =	sadd.s32 @!p0 $0x88, s6;
	s7 =	simm.s32 @p2 $0x1082  }
0x22: {  	[simem:s7], [sflag:s8] =	dma.local @!p0 [hbm:s6], $0xF7A  }
0x23: {  	s9 =	sor.u32 $0xD0000000, s2;
	s6 =	simm.s32 $0x108;
	_ =	swait.ge @!p0 [sflag:s8], $0x0  }
0x24: {  	s3 =	sadd.s32 $0x88, s3;
	s6 =	simm.s32 @!p1 $0x1082;
	[sflag:s4] =	ssyncset.s32 $0xFFFFF086  }
0x25: {  	[simem:s6], [sflag:s4] =	dma.local [hbm:s3], $0xF7A  }
0x26: {  	[smem:$0x3F96] =	sst s1;
	(tag) =	ssettag s2;
	_ =	strace s9  }
0x27: {  	s1 =	sld [smem:$0x3FA6]  }
0x28: {  	s2 =	sld [smem:$0x3FA7]  }
0x29: {  	s4 =	sld [smem:$0x3FA9]  }
0x2a: {  	p0 =	seq.s32 s5, $0x0;
	s5 =	sld [smem:$0x3FAA]  }
0x2b: {  	s6 =	sld [smem:$0x3FAB]  }
0x2c: {  	s7 =	sld [smem:$0x3FAC]  }
0x2d: {  	s3 =	simm.s32 $0x108;
	s8 =	sld [smem:$0x3FAD]  }
0x2e: {  	s3 =	simm.s32 @!p0 $0x1082;
	s9 =	sld [smem:$0x3FAE]  }
0x2f: {  	lr =	sadd.s32 s0, s3;
	s0 =	sld [smem:$0x3FA5]  }
0x30: {  	s3 =	sld [smem:$0x3FA8]  }
0x31: {  	[smem:$0x3FB1] =	sst s10  }
0x32: {  	s10 =	sld [smem:$0x3FAF];
	_ =	sdelay $0x3  }
0x33: {  	p0 =	seq.s32 s10, $0x1;
	s10 =	sld [smem:$0x3FB1];
	_ =	sdelay $0x3  }
0x34: {  	[smem:$0x3FB1] =	sst s10  }
0x35: {  	s10 =	sld [smem:$0x3FB0];
	_ =	sdelay $0x3  }
0x36: {  	p1 =	seq.s32 s10, $0x1;
	s10 =	sld [smem:$0x3FB1];
	_ =	sdelay $0x3  }
0x37: {  	[smem:$0x3FB1] =	sst s10  }
0x38: {  	s10 =	sld [smem:$0x3FB2]  }
0x39: {  	_ = 	snop;
	(pc) =	sbr.ind lr, $3  }
0x3a: {  	_ = 	snop  }
0x3b: {  	_ = 	snop  }
0x3c: {  	p2 =	seq.s32 s10, $0x1;
	s10 =	sld [smem:$0x3FB1]  }
0x3d: {  	_ =	shalt  }
0x3e: {  	_ =	shalt  }
0x3f: {  	_ =	shalt  }
0x40: {  	_ =	shalt  }
0x41: {  	_ =	shalt  }
0x42: {  	_ =	shalt  }
0x43: {  	_ =	shalt  }
0x44: {  	_ =	shalt  }
0x45: {  	_ =	shalt  }
0x46: {  	_ =	shalt  }
0x47: {  	_ =	shalt  }
0x48: {  	_ =	shalt  }
0x49: {  	_ =	shalt  }
0x4a: {  	_ =	shalt  }
0x4b: {  	_ =	shalt  }
0x4c: {  	_ =	shalt  }
0x4d: {  	_ =	shalt  }
0x4e: {  	_ =	shalt  }
0x4f: {  	_ =	shalt  }
0x50: {  	_ =	shalt  }
0x51: {  	_ =	shalt  }
0x52: {  	_ =	shalt  }
0x53: {  	_ =	shalt  }
0x54: {  	_ =	shalt  }
0x55: {  	_ =	shalt  }
0x56: {  	_ =	shalt  }
0x57: {  	_ =	shalt  }
0x58: {  	_ =	shalt  }
0x59: {  	_ =	shalt  }
0x5a: {  	_ =	shalt  }
0x5b: {  	_ =	shalt  }
0x5c: {  	_ =	shalt  }
0x5d: {  	_ =	shalt  }
0x5e: {  	_ =	shalt  }
0x5f: {  	_ =	shalt  }
0x60: {  	_ =	shalt  }
0x61: {  	_ =	shalt  }
0x62: {  	_ =	shalt  }
0x63: {  	_ =	shalt  }
0x64: {  	_ =	shalt  }
0x65: {  	_ =	shalt  }
0x66: {  	_ =	shalt  }
0x67: {  	_ =	shalt  }
0x68: {  	_ =	shalt  }
0x69: {  	_ =	shalt  }
0x6a: {  	_ =	shalt  }
0x6b: {  	_ =	shalt  }
0x6c: {  	_ =	shalt  }
0x6d: {  	_ =	shalt  }
0x6e: {  	_ =	shalt  }
0x6f: {  	_ =	shalt  }
0x70: {  	_ =	shalt  }
0x71: {  	_ =	shalt  }
0x72: {  	_ =	shalt  }
0x73: {  	_ =	shalt  }
0x74: {  	_ =	shalt  }
0x75: {  	_ =	shalt  }
0x76: {  	_ =	shalt  }
0x77: {  	_ =	shalt  }
0x78: {  	_ =	shalt  }
0x79: {  	_ =	shalt  }
0x7a: {  	_ =	shalt  }
0x7b: {  	_ =	shalt  }
0x7c: {  	_ =	shalt  }
0x7d: {  	_ =	shalt  }
0x7e: {  	_ =	shalt  }
0x7f: {  	_ =	shalt  }
0x80: {  	_ =	shalt  }
0x81: {  	_ =	shalt  }
0x82: {  	_ =	shalt  }
0x83: {  	_ =	shalt  }
0x84: {  	_ =	shalt  }
0x85: {  	_ =	shalt  }
0x86: {  	_ =	shalt  }
0x87: {  	_ =	shalt  }
.Lfunc_end0:
.L_simem_size_0:
called_computation_lowered:
.L_overlay_start_0:
0x88: {  	s2 =	sld [smem:$0x3FD9]  }
0x89: {  	s3 =	sld [smem:$0x3FFE];
	_ =	sdelay $0x1  }
0x8a: {  	s1 =	srdreg.scid  }
0x8b: {  	s0 =	sand.u32 $0x1, s1  }
0x8c: {  	s17 =	sshll.u32 s0, $0xA;
	s2 =	sadd.s32 s3, s2  }
0x8d: {  	s2 =	sadd.s32 s2, s17  }
0x8e: {  	[smem:$0x3FBD] =	sst s2  }
0x8f: {  	_ = 	snop  }
0x90: {  	s2 =	sld [smem:$0x3FC2];
	(tm) =	ssettm $0x1  }
0x91: {  	s18 =	sld [smem:$0x3FFB];
	_ =	sdelay $0x3  }
0x92: {  	_ =	strace s18  }
0x93: {  	s3 =	sld [smem:$0x3FFC];
	_ =	sdelay $0x3  }
0x94: {  	_ =	strace s3  }
0x95: {  	s3 =	sld [smem:$0x3FFD];
	_ =	sdelay $0x3  }
0x96: {  	_ =	strace s3  }
0x97: {  	_ =	strace $0x8FFFFFFF  }
0x98: {  	s19 =	sld [smem:$0x3FDB];
	_ =	sdelay $0x1  }
0x99: {  	s4 =	simm.s32 $_scs_section_size  }
0x9a: {  	s5 =	simm.s32 $_size__tile_overlayer_lowered;
	s6 =	simm.s32 $_tile_overlayer_lowered  }
0x9b: {  	s22 =	simm.s32 $0x1BFF;
	s21 =	sshll.u32 s6, $0x1;
	s3 =	sadd.s32 s4, s19  }
0x9c: {  	s7 =	simm.s32 $0x0;
	s20 =	sshll.u32 s5, $0x1;
	s5 =	sadd.s32 s21, s3  }
0x9d: {  	[timem:s7], [sflag:s22] =	dma.local [hbm:s5], s20  }
0x9e: {  	_ =	swait.ge [sflag:s22], s20  }
0x9f: {  	s4 =	ssub.s32 $0x0, s20;
	[sflag:s22] =	ssyncset.done $0x0  }
0xa0: {  	[sflag:s22] =	ssyncadd.s32 s4;
	_ =	sdelay $0x1  }
0xa1: {  	s23 =	simm.s32 $0x1B8B  }
0xa2: {  	_ =	swait.ge [sflag:s23], $0x1  }
0xa3: {  	[sflag:s23] =	ssyncset.done $0x0  }
0xa4: {  	s25 =	simm.s32 $0x1B8E;
	s24 =	sld [smem:$0x3FFE];
	[sflag:s23] =	ssyncadd.s32 $0xFFFFFFFF  }
0xa5: {  	s26 =	simm.s32 $execute0_lowered;
	[smem:$0x3FD2] =	sst s25  }
0xa6: {  	s5 =	sshll.u32 s26, $0x1;
	_ =	strace $0x80000046;
	[dreg:$0x1] =	wrdreg $0xFFFFFFFF  }
0xa7: {  	s28 =	simm.s32 $_size_execute0_lowered;
	s3 =	sadd.s32 s3, s5;
	[dreg:$0x0] =	wrdreg $0x0  }
0xa8: {  	s5 =	sshll.u32 s28, $0x1;
	[dreg:$0x2] =	wrdreg s3  }
0xa9: {  	[dreg:$0x3] =	wrdreg s5  }
0xaa: {  	[dreg:$0x4] =	wrdreg $0xC0  }
0xab: {  	_ =	task [dreg:s7], $0x5FFFF  }
0xac: {  	[dreg:$0x1] =	wrdreg $0xFFFFFFFF  }
0xad: {  	[dreg:$0x0] =	wrdreg $0x60  }
0xae: {  	[dreg:$0x2] =	wrdreg s24  }
0xaf: {  	[dreg:$0x3] =	wrdreg s2  }
0xb0: {  	[dreg:$0x4] =	wrdreg $0x9  }
0xb1: {  	_ =	task.clear_ibuf [dreg:s7], $0x5FFFF;
	_ =	strace $0x90000046  }
0xb2: {  	s29 =	simm.s32 $0x9;
	_ =	strace $0x80000048  }
0xb3: {  	_ =	swait.ge [sflag:s29], $0x1  }
0xb4: {  	[sflag:s29] =	ssyncadd.s32 $0xFFFFFFFF  }
0xb5: {  	_ =	strace $0x90000048  }
0xb6: {  	_ =	sfence  }
0xb7: {  	s30 =	sld [smem:$0x0];
	_ =	sdelay $0x2  }
0xb8: {  	s31 =	sshll.u32 s1, $0xD;
	s1 =	sshrl.u32 s1, $0x2  }
0xb9: {  	s3 =	sand.u32 $0x4000, s31;
	s1 =	sadd.s32 s1, s30  }
0xba: {  	s0 =	sor.u32 s3, s0;
	s1 =	sshll.u32 s1, $0x11  }
0xbb: {  	s0 =	sor.u32 s1, s0  }
0xbc: {  	s0 =	sadd.s32 $0x8F2B, s0  }
0xbd: {  	[sflag:s0] =	ssyncadd.remote.s32 $0x1  }
0xbe: {  	_ =	sfence.sel $0xFFFF  }
0xbf: {  	[dreg:$0x0] =	wrdreg $0xFFFFFFFF;
	(pc) =	sbr.abs _section_cstart, $3  }
0xc0: {  	[dreg:$0x1] =	wrdreg $0xFFFFFFFF  }
0xc1: {  	_ =	task.clear_ibuf [dreg:s7], $0x2FFFF;
	_ =	strace $0x9FFFFFFF  }
0xc2: {  	(tm) =	ssettm $0x7FFFFFFF  }
0xc3: {  	_ =	shalt  }
tec
execute0_lowered:
.L_overlay_start_1:
0x0: {  	(tag) =	ssettag $0x1  }
0x1: {  	s1 =	srdreg.scid  }
0x2: {  	s0 =	stileid.u32;
	s6 =	sand.u32 $0x1, s1  }
0x3: {  	s8 =	rddreg [dreg:$0x0];
	s30 =	sshll.u32 s0, $0x8;
	s3 =	sshll.u32 s6, $0x7  }
0x4: {  	s2 =	rddreg [dreg:$0x1];
	s5 =	simm.s32 $0x3;
	s7 =	sor.u32 s3, s30  }
0x5: {  	s1 =	rddreg [dreg:$0x2];
	s3 =	simm.s32 $0x0;
	s4 =	sshrl.u32 s7, $0x3  }
0x6: {  	s10 =	ssub.s32 $0x2, s6;
	[smem:$0x7FF] =	sst s3;
	s4 =	sadd.s32 s4, s8  }
0x7: {  	s6 =	simm.s32 $0x80;
	_ =	strace $0x80000047;
	s4 =	sadd.s32 $0x1E00, s4  }
0x8: {  	[tilespmem:s3], [sflag:$0x3] =	stream.linear.gather [hbm4b:s4+s3], $0x80, $0x38;
	[tilespmem:$0x4080] =	vst v63  }
0x9: {  	s31 =	sshrl.u32 s10, $0x1;
	s9 =	sshll.u32 s7, $0x4;
	_ =	swait.ge [sflag:s5], $0x80  }
0xa: {  	s8 =	sadd.s32 s9, s8;
	s9 =	ssub.s32 s10, s31;
	[sflag:s5] =	ssyncset.done $0x0  }
0xb: {  	s7 =	simm.s32 $0x1;
	s10 =	smax.u32 s9, $0x1;
	[sflag:s5] =	ssyncadd.s32 $0xFFFFFF80  }
0xc: {  	[tilespmem:s6], [sflag:$0x1] =	stream.indirect.gather [hbm4b:s2+s6], $0x80, s3, s6, $0xb8;
	[tilespmem:$0x4080] =	vst v63  }
0xd: {  	p0 =	sne.s32 s10, $0x1;
	_ =	swait.ge [sflag:s7], $0x4000  }
.Ltmp0:
0xe: {  	[sflag:s7] =	ssyncset.done $0x0;
	(pc) =	sbr.rel @!p0 .LBB2_2-.Ltmp0, $4  }
0xf: {  	s8 =	sadd.s32 $0x2000, s8;
	s9 =	simm.s32 $0x2;
	[sflag:s7] =	ssyncadd.s32 $0xFFFFC000  }
0x10: {  	[hbm4b:s8+s3] =	stream.linear.scatter [tilespmem:s6], [sflag:$0x2], $0x4000, $0x38;
	[tilespmem:$0x4080] =	vst v63  }
0x11: {  	_ =	swait.ge [sflag:s9], $0x4000  }
0x12: {  	s10 =	sadd.s32 $0xFFFFFFFF, s10;
	[sflag:s9] =	ssyncset.done $0x0  }
.LBB2_1:
0x13: {  	p0 =	sne.s32 s10, $0x1;
	s10 =	sadd.s32 $0xFFFFFFFF, s10;
	[sflag:s9] =	ssyncadd.s32 $0xFFFFC000  }
0x14: {  	[tilespmem:s3], [sflag:$0x3] =	stream.linear.gather [hbm4b:s4+s3], $0x80, $0x38;
	[tilespmem:$0x4080] =	vst v63  }
0x15: {  	_ =	swait.ge [sflag:s5], $0x80  }
0x16: {  	[sflag:s5] =	ssyncset.done $0x0  }
0x17: {  	[sflag:s5] =	ssyncadd.s32 $0xFFFFFF80  }
0x18: {  	[tilespmem:s6], [sflag:$0x1] =	stream.indirect.gather [hbm4b:s2+s6], $0x80, s3, s6, $0xb8;
	[tilespmem:$0x4080] =	vst v63  }
0x19: {  	_ =	swait.ge [sflag:s7], $0x4000  }
.Ltmp1:
0x1a: {  	[sflag:s7] =	ssyncset.done $0x0;
	(pc) =	sbr.rel @p0 .LBB2_1-.Ltmp1, $4  }
0x1b: {  	[sflag:s7] =	ssyncadd.s32 $0xFFFFC000  }
0x1c: {  	[hbm4b:s8+s3] =	stream.linear.scatter [tilespmem:s6], [sflag:$0x2], $0x4000, $0x38;
	[tilespmem:$0x4080] =	vst v63  }
0x1d: {  	_ =	swait.ge [sflag:s9], $0x4000  }
0x1e: {  	[sflag:s9] =	ssyncset.done $0x0  }
.LBB2_2:
0x1f: {  	[sflag:s9] =	ssyncadd.s32 $0xFFFFC000  }
0x20: {  	_ =	sfence.sel $0x180000  }
0x21: {  	[bflag:$0x0] =	sbarrier.arrive $0xFFFF  }
0x22: {  	p0 =	sne.s32 s0, $0x0;
	_ =	strace $0x90000047  }
0x23: {  	s0 =	sadd.s32 @!p0 $0x100000, s1;
	[bflag:$0x2] =	sbarrier.arrive $0xFFFF  }
0x24: {  	[sflag:s0] =	ssyncadd.tile.s32 @!p0 $0x1;
	_ =	shalt  }
.Lfunc_end2:
_tile_overlayer_lowered:
.L_overlay_start_2:
0x25: {  	(tag) =	ssettag $0x2  }
0x26: {  	s0 =	rddreg [dreg:$0x0];
	s2 =	stileid.u32  }
0x27: {  	s1 =	rddreg [dreg:$0x1];
	p0 =	sne.s32 s2, $0x0  }
0x28: {  	s3 =	rddreg [dreg:$0x2];
	[bflag:$0x3] =	sbarrier.arrive $0xFFFF;
	s2 =	simm.s32 @!p0 $0x1C03  }
0x29: {  	[timem:s3], [sflag:s2] =	dma.local @!p0 [hbm:s0], s1  }
0x2a: {  	s0 =	simm.s32 @!p0 $0x3  }
0x2b: {  	_ =	swait.ge @!p0 [sflag:s0], s1  }
0x2c: {  	s1 =	ssub.s32 @!p0 $0x0, s1;
	[sflag:s0] =	ssyncset.done @!p0 $0x0  }
0x2d: {  	[sflag:s0] =	ssyncadd.s32 @!p0 s1  }
0x2e: {  	[bflag:$0x3] =	sbarrier.arrive $0xFFFF  }
0x2f: {  	_ =	shalt  }

</sc_bundles>
